<compile_context>
chip_gen: v7x
topology: tpu7x:2x2x1
jax: 0.10.2.dev20260603
libtpu: 0.0.44.dev20260713+nightly
codegen_flags: <defaults>
</compile_context>

<pallas_src>
import functools

import jax
import jax.numpy as jnp
from jax import lax
from jax.experimental import pallas as pl
from jax.experimental.pallas import tpu as pltpu
from jax.experimental.pallas import tpu_sc as plsc

_N = 128
_D = 768
_H = 768
_E = 64
_K = 2
_EPB = 2


def _gating_body(x_ref, wg_ref, bg_ref, gt_ref):
    logits = jnp.dot(x_ref[...], wg_ref[...],
                     preferred_element_type=jnp.float32) + bg_ref[...]
    m = jnp.max(logits, axis=-1, keepdims=True)
    p = jnp.exp(logits - m)
    gt_ref[...] = (p / jnp.sum(p, axis=-1, keepdims=True)).T


def _moe_body(x_ref, wg_ref, bg_ref, w1_ref, b1_ref, w2_ref, b2_ref,
              out_ref, comb_ref):
    e = pl.program_id(0)

    @pl.when(e == 0)
    def _routing():
        logits = jnp.dot(x_ref[...], wg_ref[...],
                         preferred_element_type=jnp.float32) + bg_ref[...]
        m = jnp.max(logits, axis=-1, keepdims=True)
        p = jnp.exp(logits - m)
        gates = p / jnp.sum(p, axis=-1, keepdims=True)
        col = jax.lax.broadcasted_iota(jnp.int32, (_N, _E), 1)
        i1 = jnp.argmax(gates, axis=-1)
        oh1 = col == i1[:, None]
        g2 = jnp.where(oh1, -jnp.inf, gates)
        i2 = jnp.argmax(g2, axis=-1)
        oh2 = col == i2[:, None]
        comb_ref[...] = jnp.where(oh1 | oh2, gates, 0.0)
        out_ref[...] = jnp.zeros_like(out_ref)

    col = jax.lax.broadcasted_iota(jnp.int32, (_N, _E), 1)
    xb = x_ref[...].astype(jnp.bfloat16)
    acc = jnp.zeros((_N, _D), jnp.float32)
    for j in range(_EPB):
        w = jnp.sum(jnp.where(col == e * _EPB + j, comb_ref[...], 0.0),
                    axis=1)
        h = jnp.maximum(
            jnp.dot(xb, w1_ref[j].astype(jnp.bfloat16),
                    preferred_element_type=jnp.float32) + b1_ref[j], 0.0)
        y = jnp.dot(h.astype(jnp.bfloat16), w2_ref[j].astype(jnp.bfloat16),
                    preferred_element_type=jnp.float32) + b2_ref[j]
        acc += w[:, None] * y
    out_ref[...] += acc


@functools.partial(
    pl.kernel,
    mesh=plsc.VectorSubcoreMesh(core_axis_name="c", subcore_axis_name="s"),
    out_type=jax.ShapeDtypeStruct((16,), jnp.float32),
    compiler_params=pltpu.CompilerParams(needs_layout_passes=False),
    scratch_types=[
        pltpu.VMEM((_E, _N), jnp.float32),
        pltpu.VMEM((8, 16), jnp.int32),
        pltpu.VMEM((8, 16), jnp.int32),
        pltpu.VMEM((16,), jnp.float32),
    ],
)
def _sc_loss(gatest_hbm, loss_hbm, gtbuf, i1buf, i2buf, lbuf):
    cid = lax.axis_index("c")
    sid = lax.axis_index("s")

    @pl.when((cid == 0) & (sid == 0))
    def _():
        pltpu.sync_copy(gatest_hbm, gtbuf)
        neg = jnp.full((16,), -3e38, jnp.float32)
        zi = jnp.zeros((16,), jnp.int32)

        for g in range(_N // 16):

            def estep(e2, st):
                m1, m2, i1, i2 = st
                ev = jnp.full((16,), e2, jnp.int32)
                v = gtbuf[e2, pl.ds(16 * g, 16)]
                gt1 = v > m1
                gt2 = v > m2
                i2n = jnp.where(gt1, i1, jnp.where(gt2, ev, i2))
                m2n = jnp.where(gt1, m1, jnp.where(gt2, v, m2))
                return (jnp.where(gt1, v, m1), m2n,
                        jnp.where(gt1, ev, i1), i2n)

            _, _, i1, i2 = lax.fori_loop(0, _E, estep, (neg, neg, zi, zi))
            i1buf[g, :] = i1
            i2buf[g, :] = i2

        def per_expert(e, lacc):
            ev = jnp.full((16,), e, jnp.int32)

            def grp(g, cacc):
                s1 = i1buf[g, :] == ev
                s2 = i2buf[g, :] == ev
                return (cacc + plsc.all_reduce_population_count(s1)
                        + plsc.all_reduce_population_count(s2))

            cnt = lax.fori_loop(0, _N // 16, grp, zi)
            f = cnt.astype(jnp.float32) / jnp.float32(_N * _K)
            return lacc + f * f

        lbuf[...] = lax.fori_loop(0, _E, per_expert,
                                  jnp.zeros((16,), jnp.float32))
        pltpu.sync_copy(lbuf, loss_hbm)


def kernel(x, Wg, bg, W1, b1, W2, b2):
    gatest = pl.pallas_call(
        _gating_body,
        in_specs=[
            pl.BlockSpec((_N, _D), lambda: (0, 0)),
            pl.BlockSpec((_D, _E), lambda: (0, 0)),
            pl.BlockSpec((1, _E), lambda: (0, 0)),
        ],
        out_specs=pl.BlockSpec((_E, _N), lambda: (0, 0)),
        out_shape=jax.ShapeDtypeStruct((_E, _N), jnp.float32),
    )(x, Wg, bg.reshape(1, _E))

    loss_vec = _sc_loss(gatest)

    out = pl.pallas_call(
        _moe_body,
        grid=(_E // _EPB,),
        in_specs=[
            pl.BlockSpec((_N, _D), lambda e: (0, 0)),
            pl.BlockSpec((_D, _E), lambda e: (0, 0)),
            pl.BlockSpec((1, _E), lambda e: (0, 0)),
            pl.BlockSpec((_EPB, _D, _H), lambda e: (e, 0, 0)),
            pl.BlockSpec((_EPB, 1, _H), lambda e: (e, 0, 0)),
            pl.BlockSpec((_EPB, _H, _D), lambda e: (e, 0, 0)),
            pl.BlockSpec((_EPB, 1, _D), lambda e: (e, 0, 0)),
        ],
        out_specs=pl.BlockSpec((_N, _D), lambda e: (0, 0)),
        out_shape=jax.ShapeDtypeStruct((_N, _D), jnp.float32),
        scratch_shapes=[pltpu.VMEM((_N, _E), jnp.float32)],
        compiler_params=pltpu.CompilerParams(
            dimension_semantics=("arbitrary",),
        ),
    )(x, Wg, bg.reshape(1, _E), W1, b1.reshape(_E, 1, _H), W2,
      b2.reshape(_E, 1, _D))
    return out, loss_vec[0]

# --- scband reference (transcript-rebuilt; emitter-appended) ---
"""Pipeline reference for scband-mo-e-9500467658832 (READ-ONLY COPY).

The authoritative reference and input builder live on the scoring server;
editing this copy changes nothing except your own understanding.
"""

import jax, jax.numpy as jnp
import numpy as np

N = 128
D = 768
H = 768
E = 64
K = 2

def setup_inputs(seed: int = 0) -> dict:
    key = jax.random.key(seed)
    ks = jax.random.split(key, 4)
    x = jax.random.normal(ks[0], (N, D), dtype=jnp.float32)
    Wg = jax.random.normal(ks[1], (D, E), dtype=jnp.float32) * 0.02
    bg = jnp.zeros((E,), dtype=jnp.float32)
    W1 = jax.random.normal(ks[2], (E, D, H), dtype=jnp.float32) * 0.02
    b1 = jnp.zeros((E, H), dtype=jnp.float32)
    W2 = jax.random.normal(ks[3], (E, H, D), dtype=jnp.float32) * 0.02
    b2 = jnp.zeros((E, D), dtype=jnp.float32)
    return {"x": x, "Wg": Wg, "bg": bg, "W1": W1, "b1": b1, "W2": W2, "b2": b2}

def reference(x, Wg, bg, W1, b1, W2, b2):
    # GatingNetwork: softmax(linear(x))
    gate_scores = jax.nn.softmax(x @ Wg + bg, axis=-1)  # [N, E]
    # top-k routing
    topk_vals, topk_idx = jax.lax.top_k(gate_scores, K)  # [N, K]
    # one-hot dispatch mask; equivalent to the per-expert boolean masks in torch
    onehot = jax.nn.one_hot(topk_idx, E, dtype=x.dtype)  # [N, K, E]
    combine = jnp.einsum('nk,nke->ne', topk_vals, onehot)  # [N, E] combine weights
    # Expert MLPs: Linear -> ReLU -> Linear, computed for all experts then
    # weighted by combine (zero weight for unselected experts == masked compute)
    h = jnp.maximum(jnp.einsum('nd,edh->enh', x, W1) + b1[:, None, :], 0.0)  # [E, N, H]
    y = jnp.einsum('enh,ehd->end', h, W2) + b2[:, None, :]  # [E, N, D]
    output = jnp.einsum('ne,end->nd', combine, y)  # [N, D]
    # load balancing loss: load[e] = number of (token, slot) pairs routed to e
    load = jnp.sum(onehot, axis=(0, 1))  # [E]
    load_balancing_loss = jnp.sum((load / jnp.sum(load)) ** 2)
    return (output, load_balancing_loss)

if __name__ == "__main__":
    import jax
    _d = setup_inputs()
    print(jax.jit(kernel)(*tuple(_d.values())))

</pallas_src>

<mosaic_0001>
#map = affine_map<(d0, d1) -> (0, 0)>
#map1 = affine_map<(d0, d1) -> (0)>
module attributes {stable_mosaic.version = 14 : i64} {
  func.func @_sc_loss(%arg0: i32, %arg1: i32, %arg2: memref<64x128xf32, #tpu.memory_space<hbm>>, %arg3: memref<16xf32, #tpu.memory_space<hbm>>, %arg4: memref<64x128xf32, #tpu.memory_space<vmem>>, %arg5: memref<8x16xi32, #tpu.memory_space<vmem>>, %arg6: memref<8x16xi32, #tpu.memory_space<vmem>>, %arg7: memref<16xf32, #tpu.memory_space<vmem>>) attributes {dimension_semantics = [#tpu.dimension_semantics<core_parallel>, #tpu.dimension_semantics<subcore_parallel>], iteration_bounds = array<i64: 2, 16>, scalar_prefetch = 0 : i64, scratch_operands = 4 : i64, tpu.core_type = #tpu.core_type<sc_vector_subcore>, window_params = [{transform_indices = #map}, {transform_indices = #map1}]} {
    %eq3A = arith.constant 0 : i32
    %eq3A_0 = arith.cmpi eq, %arg0, %eq3A : i32
    %eq3A_1 = arith.constant 0 : i32
    %eq3A_2 = arith.cmpi eq, %arg1, %eq3A_1 : i32
    %and3A = arith.andi %eq3A_0, %eq3A_2 : i1
    %convert_element_type3A = arith.extui %and3A : i1 to i32
    %cond3A = arith.constant 0 : i32
    %cond3A_3 = arith.cmpi ne, %convert_element_type3A, %cond3A : i32
    scf.if %cond3A_3 {
      "tpu.region"() ({
        %run_scoped3A = tpu.sem_alloc : memref<!tpu.dma_semaphore, #tpu.memory_space<semaphore_mem>>
        tpu.enqueue_dma source(%arg2 : memref<64x128xf32, #tpu.memory_space<hbm>>) target(%arg4 : memref<64x128xf32, #tpu.memory_space<vmem>>) target_semaphore(%run_scoped3A : memref<!tpu.dma_semaphore, #tpu.memory_space<semaphore_mem>>)
        tpu.wait_dma2 semaphore(%run_scoped3A : memref<!tpu.dma_semaphore, #tpu.memory_space<semaphore_mem>>) src(%arg2 : memref<64x128xf32, #tpu.memory_space<hbm>>) dst(%arg4 : memref<64x128xf32, #tpu.memory_space<vmem>>)
        tpu.yield
      }) : () -> ()
      %broadcast_in_dim3A = arith.constant -3.000000e+38 : f32
      %broadcast_in_dim3A_4 = vector.broadcast %broadcast_in_dim3A : f32 to vector<16xf32>
      %broadcast_in_dim3A_5 = arith.constant 0 : i32
      %broadcast_in_dim3A_6 = vector.broadcast %broadcast_in_dim3A_5 : i32 to vector<16xi32>
      %scan3A = arith.constant 0 : i32
      %scan3A_7 = arith.constant 64 : i32
      %scan3A_8 = arith.addi %scan3A, %scan3A_7 : i32
      %scan3A_9 = arith.constant 1 : i32
      %scan3A_10:4 = scf.for %scan3A_127 = %scan3A to %scan3A_8 step %scan3A_9 iter_args(%scan3A_128 = %broadcast_in_dim3A_4, %scan3A_129 = %broadcast_in_dim3A_4, %scan3A_130 = %broadcast_in_dim3A_6, %scan3A_131 = %broadcast_in_dim3A_6) -> (vector<16xf32>, vector<16xf32>, vector<16xi32>, vector<16xi32>)  : i32 {
        %broadcast_in_dim3A_132 = vector.broadcast %scan3A_127 : i32 to vector<16xi32>
        %get3A = arith.index_cast %scan3A_127 : i32 to index
        %get3A_133 = arith.constant 0 : index
        %get3A_134 = tpu.vector_load %arg4[%get3A, %get3A_133] {strides = array<i32>} : memref<64x128xf32, #tpu.memory_space<vmem>>, vector<16xf32>,
        %gt3A = arith.cmpf ogt, %get3A_134, %scan3A_128 : vector<16xf32>
        %gt3A_135 = arith.cmpf ogt, %get3A_134, %scan3A_129 : vector<16xf32>
        %select_n3A = arith.select %gt3A_135, %broadcast_in_dim3A_132, %scan3A_131 : vector<16xi1>, vector<16xi32>
        %select_n3A_136 = arith.select %gt3A, %scan3A_130, %select_n3A : vector<16xi1>, vector<16xi32>
        %select_n3A_137 = arith.select %gt3A_135, %get3A_134, %scan3A_129 : vector<16xi1>, vector<16xf32>
        %select_n3A_138 = arith.select %gt3A, %scan3A_128, %select_n3A_137 : vector<16xi1>, vector<16xf32>
        %select_n3A_139 = arith.select %gt3A, %get3A_134, %scan3A_128 : vector<16xi1>, vector<16xf32>
        %select_n3A_140 = arith.select %gt3A, %broadcast_in_dim3A_132, %scan3A_130 : vector<16xi1>, vector<16xi32>
        scf.yield %select_n3A_139, %select_n3A_138, %select_n3A_140, %select_n3A_136 : vector<16xf32>, vector<16xf32>, vector<16xi32>, vector<16xi32>
      }
      %scan3A_11 = arith.constant 64 : i32
      %swap3A = arith.constant 0 : i32
      %swap3A_12 = arith.index_cast %swap3A : i32 to index
      %swap3A_13 = arith.constant 0 : index
      %swap3A_14 = tpu.vector_load %arg5[%swap3A_12, %swap3A_13] {strides = array<i32>} : memref<8x16xi32, #tpu.memory_space<vmem>>, vector<16xi32>,
      tpu.vector_store %arg5[%swap3A_12, %swap3A_13], %scan3A_10#2 {strides = array<i32>} : memref<8x16xi32, #tpu.memory_space<vmem>>, vector<16xi32>,
      %swap3A_15 = arith.constant 0 : i32
      %swap3A_16 = arith.index_cast %swap3A_15 : i32 to index
      %swap3A_17 = arith.constant 0 : index
      %swap3A_18 = tpu.vector_load %arg6[%swap3A_16, %swap3A_17] {strides = array<i32>} : memref<8x16xi32, #tpu.memory_space<vmem>>, vector<16xi32>,
      tpu.vector_store %arg6[%swap3A_16, %swap3A_17], %scan3A_10#3 {strides = array<i32>} : memref<8x16xi32, #tpu.memory_space<vmem>>, vector<16xi32>,
      %scan3A_19 = arith.constant 0 : i32
      %scan3A_20 = arith.constant 64 : i32
      %scan3A_21 = arith.addi %scan3A_19, %scan3A_20 : i32
      %scan3A_22 = arith.constant 1 : i32
      %scan3A_23:4 = scf.for %scan3A_127 = %scan3A_19 to %scan3A_21 step %scan3A_22 iter_args(%scan3A_128 = %broadcast_in_dim3A_4, %scan3A_129 = %broadcast_in_dim3A_4, %scan3A_130 = %broadcast_in_dim3A_6, %scan3A_131 = %broadcast_in_dim3A_6) -> (vector<16xf32>, vector<16xf32>, vector<16xi32>, vector<16xi32>)  : i32 {
        %broadcast_in_dim3A_132 = vector.broadcast %scan3A_127 : i32 to vector<16xi32>
        %get3A = arith.index_cast %scan3A_127 : i32 to index
        %get3A_133 = arith.constant 16 : index
        %get3A_134 = tpu.vector_load %arg4[%get3A, %get3A_133] {strides = array<i32>} : memref<64x128xf32, #tpu.memory_space<vmem>>, vector<16xf32>,
        %gt3A = arith.cmpf ogt, %get3A_134, %scan3A_128 : vector<16xf32>
        %gt3A_135 = arith.cmpf ogt, %get3A_134, %scan3A_129 : vector<16xf32>
        %select_n3A = arith.select %gt3A_135, %broadcast_in_dim3A_132, %scan3A_131 : vector<16xi1>, vector<16xi32>
        %select_n3A_136 = arith.select %gt3A, %scan3A_130, %select_n3A : vector<16xi1>, vector<16xi32>
        %select_n3A_137 = arith.select %gt3A_135, %get3A_134, %scan3A_129 : vector<16xi1>, vector<16xf32>
        %select_n3A_138 = arith.select %gt3A, %scan3A_128, %select_n3A_137 : vector<16xi1>, vector<16xf32>
        %select_n3A_139 = arith.select %gt3A, %get3A_134, %scan3A_128 : vector<16xi1>, vector<16xf32>
        %select_n3A_140 = arith.select %gt3A, %broadcast_in_dim3A_132, %scan3A_130 : vector<16xi1>, vector<16xi32>
        scf.yield %select_n3A_139, %select_n3A_138, %select_n3A_140, %select_n3A_136 : vector<16xf32>, vector<16xf32>, vector<16xi32>, vector<16xi32>
      }
      %scan3A_24 = arith.constant 64 : i32
      %swap3A_25 = arith.constant 1 : i32
      %swap3A_26 = arith.index_cast %swap3A_25 : i32 to index
      %swap3A_27 = arith.constant 0 : index
      %swap3A_28 = tpu.vector_load %arg5[%swap3A_26, %swap3A_27] {strides = array<i32>} : memref<8x16xi32, #tpu.memory_space<vmem>>, vector<16xi32>,
      tpu.vector_store %arg5[%swap3A_26, %swap3A_27], %scan3A_23#2 {strides = array<i32>} : memref<8x16xi32, #tpu.memory_space<vmem>>, vector<16xi32>,
      %swap3A_29 = arith.constant 1 : i32
      %swap3A_30 = arith.index_cast %swap3A_29 : i32 to index
      %swap3A_31 = arith.constant 0 : index
      %swap3A_32 = tpu.vector_load %arg6[%swap3A_30, %swap3A_31] {strides = array<i32>} : memref<8x16xi32, #tpu.memory_space<vmem>>, vector<16xi32>,
      tpu.vector_store %arg6[%swap3A_30, %swap3A_31], %scan3A_23#3 {strides = array<i32>} : memref<8x16xi32, #tpu.memory_space<vmem>>, vector<16xi32>,
      %scan3A_33 = arith.constant 0 : i32
      %scan3A_34 = arith.constant 64 : i32
      %scan3A_35 = arith.addi %scan3A_33, %scan3A_34 : i32
      %scan3A_36 = arith.constant 1 : i32
      %scan3A_37:4 = scf.for %scan3A_127 = %scan3A_33 to %scan3A_35 step %scan3A_36 iter_args(%scan3A_128 = %broadcast_in_dim3A_4, %scan3A_129 = %broadcast_in_dim3A_4, %scan3A_130 = %broadcast_in_dim3A_6, %scan3A_131 = %broadcast_in_dim3A_6) -> (vector<16xf32>, vector<16xf32>, vector<16xi32>, vector<16xi32>)  : i32 {
        %broadcast_in_dim3A_132 = vector.broadcast %scan3A_127 : i32 to vector<16xi32>
        %get3A = arith.index_cast %scan3A_127 : i32 to index
        %get3A_133 = arith.constant 32 : index
        %get3A_134 = tpu.vector_load %arg4[%get3A, %get3A_133] {strides = array<i32>} : memref<64x128xf32, #tpu.memory_space<vmem>>, vector<16xf32>,
        %gt3A = arith.cmpf ogt, %get3A_134, %scan3A_128 : vector<16xf32>
        %gt3A_135 = arith.cmpf ogt, %get3A_134, %scan3A_129 : vector<16xf32>
        %select_n3A = arith.select %gt3A_135, %broadcast_in_dim3A_132, %scan3A_131 : vector<16xi1>, vector<16xi32>
        %select_n3A_136 = arith.select %gt3A, %scan3A_130, %select_n3A : vector<16xi1>, vector<16xi32>
        %select_n3A_137 = arith.select %gt3A_135, %get3A_134, %scan3A_129 : vector<16xi1>, vector<16xf32>
        %select_n3A_138 = arith.select %gt3A, %scan3A_128, %select_n3A_137 : vector<16xi1>, vector<16xf32>
        %select_n3A_139 = arith.select %gt3A, %get3A_134, %scan3A_128 : vector<16xi1>, vector<16xf32>
        %select_n3A_140 = arith.select %gt3A, %broadcast_in_dim3A_132, %scan3A_130 : vector<16xi1>, vector<16xi32>
        scf.yield %select_n3A_139, %select_n3A_138, %select_n3A_140, %select_n3A_136 : vector<16xf32>, vector<16xf32>, vector<16xi32>, vector<16xi32>
      }
      %scan3A_38 = arith.constant 64 : i32
      %swap3A_39 = arith.constant 2 : i32
      %swap3A_40 = arith.index_cast %swap3A_39 : i32 to index
      %swap3A_41 = arith.constant 0 : index
      %swap3A_42 = tpu.vector_load %arg5[%swap3A_40, %swap3A_41] {strides = array<i32>} : memref<8x16xi32, #tpu.memory_space<vmem>>, vector<16xi32>,
      tpu.vector_store %arg5[%swap3A_40, %swap3A_41], %scan3A_37#2 {strides = array<i32>} : memref<8x16xi32, #tpu.memory_space<vmem>>, vector<16xi32>,
      %swap3A_43 = arith.constant 2 : i32
      %swap3A_44 = arith.index_cast %swap3A_43 : i32 to index
      %swap3A_45 = arith.constant 0 : index
      %swap3A_46 = tpu.vector_load %arg6[%swap3A_44, %swap3A_45] {strides = array<i32>} : memref<8x16xi32, #tpu.memory_space<vmem>>, vector<16xi32>,
      tpu.vector_store %arg6[%swap3A_44, %swap3A_45], %scan3A_37#3 {strides = array<i32>} : memref<8x16xi32, #tpu.memory_space<vmem>>, vector<16xi32>,
      %scan3A_47 = arith.constant 0 : i32
      %scan3A_48 = arith.constant 64 : i32
      %scan3A_49 = arith.addi %scan3A_47, %scan3A_48 : i32
      %scan3A_50 = arith.constant 1 : i32
      %scan3A_51:4 = scf.for %scan3A_127 = %scan3A_47 to %scan3A_49 step %scan3A_50 iter_args(%scan3A_128 = %broadcast_in_dim3A_4, %scan3A_129 = %broadcast_in_dim3A_4, %scan3A_130 = %broadcast_in_dim3A_6, %scan3A_131 = %broadcast_in_dim3A_6) -> (vector<16xf32>, vector<16xf32>, vector<16xi32>, vector<16xi32>)  : i32 {
        %broadcast_in_dim3A_132 = vector.broadcast %scan3A_127 : i32 to vector<16xi32>
        %get3A = arith.index_cast %scan3A_127 : i32 to index
        %get3A_133 = arith.constant 48 : index
        %get3A_134 = tpu.vector_load %arg4[%get3A, %get3A_133] {strides = array<i32>} : memref<64x128xf32, #tpu.memory_space<vmem>>, vector<16xf32>,
        %gt3A = arith.cmpf ogt, %get3A_134, %scan3A_128 : vector<16xf32>
        %gt3A_135 = arith.cmpf ogt, %get3A_134, %scan3A_129 : vector<16xf32>
        %select_n3A = arith.select %gt3A_135, %broadcast_in_dim3A_132, %scan3A_131 : vector<16xi1>, vector<16xi32>
        %select_n3A_136 = arith.select %gt3A, %scan3A_130, %select_n3A : vector<16xi1>, vector<16xi32>
        %select_n3A_137 = arith.select %gt3A_135, %get3A_134, %scan3A_129 : vector<16xi1>, vector<16xf32>
        %select_n3A_138 = arith.select %gt3A, %scan3A_128, %select_n3A_137 : vector<16xi1>, vector<16xf32>
        %select_n3A_139 = arith.select %gt3A, %get3A_134, %scan3A_128 : vector<16xi1>, vector<16xf32>
        %select_n3A_140 = arith.select %gt3A, %broadcast_in_dim3A_132, %scan3A_130 : vector<16xi1>, vector<16xi32>
        scf.yield %select_n3A_139, %select_n3A_138, %select_n3A_140, %select_n3A_136 : vector<16xf32>, vector<16xf32>, vector<16xi32>, vector<16xi32>
      }
      %scan3A_52 = arith.constant 64 : i32
      %swap3A_53 = arith.constant 3 : i32
      %swap3A_54 = arith.index_cast %swap3A_53 : i32 to index
      %swap3A_55 = arith.constant 0 : index
      %swap3A_56 = tpu.vector_load %arg5[%swap3A_54, %swap3A_55] {strides = array<i32>} : memref<8x16xi32, #tpu.memory_space<vmem>>, vector<16xi32>,
      tpu.vector_store %arg5[%swap3A_54, %swap3A_55], %scan3A_51#2 {strides = array<i32>} : memref<8x16xi32, #tpu.memory_space<vmem>>, vector<16xi32>,
      %swap3A_57 = arith.constant 3 : i32
      %swap3A_58 = arith.index_cast %swap3A_57 : i32 to index
      %swap3A_59 = arith.constant 0 : index
      %swap3A_60 = tpu.vector_load %arg6[%swap3A_58, %swap3A_59] {strides = array<i32>} : memref<8x16xi32, #tpu.memory_space<vmem>>, vector<16xi32>,
      tpu.vector_store %arg6[%swap3A_58, %swap3A_59], %scan3A_51#3 {strides = array<i32>} : memref<8x16xi32, #tpu.memory_space<vmem>>, vector<16xi32>,
      %scan3A_61 = arith.constant 0 : i32
      %scan3A_62 = arith.constant 64 : i32
      %scan3A_63 = arith.addi %scan3A_61, %scan3A_62 : i32
      %scan3A_64 = arith.constant 1 : i32
      %scan3A_65:4 = scf.for %scan3A_127 = %scan3A_61 to %scan3A_63 step %scan3A_64 iter_args(%scan3A_128 = %broadcast_in_dim3A_4, %scan3A_129 = %broadcast_in_dim3A_4, %scan3A_130 = %broadcast_in_dim3A_6, %scan3A_131 = %broadcast_in_dim3A_6) -> (vector<16xf32>, vector<16xf32>, vector<16xi32>, vector<16xi32>)  : i32 {
        %broadcast_in_dim3A_132 = vector.broadcast %scan3A_127 : i32 to vector<16xi32>
        %get3A = arith.index_cast %scan3A_127 : i32 to index
        %get3A_133 = arith.constant 64 : index
        %get3A_134 = tpu.vector_load %arg4[%get3A, %get3A_133] {strides = array<i32>} : memref<64x128xf32, #tpu.memory_space<vmem>>, vector<16xf32>,
        %gt3A = arith.cmpf ogt, %get3A_134, %scan3A_128 : vector<16xf32>
        %gt3A_135 = arith.cmpf ogt, %get3A_134, %scan3A_129 : vector<16xf32>
        %select_n3A = arith.select %gt3A_135, %broadcast_in_dim3A_132, %scan3A_131 : vector<16xi1>, vector<16xi32>
        %select_n3A_136 = arith.select %gt3A, %scan3A_130, %select_n3A : vector<16xi1>, vector<16xi32>
        %select_n3A_137 = arith.select %gt3A_135, %get3A_134, %scan3A_129 : vector<16xi1>, vector<16xf32>
        %select_n3A_138 = arith.select %gt3A, %scan3A_128, %select_n3A_137 : vector<16xi1>, vector<16xf32>
        %select_n3A_139 = arith.select %gt3A, %get3A_134, %scan3A_128 : vector<16xi1>, vector<16xf32>
        %select_n3A_140 = arith.select %gt3A, %broadcast_in_dim3A_132, %scan3A_130 : vector<16xi1>, vector<16xi32>
        scf.yield %select_n3A_139, %select_n3A_138, %select_n3A_140, %select_n3A_136 : vector<16xf32>, vector<16xf32>, vector<16xi32>, vector<16xi32>
      }
      %scan3A_66 = arith.constant 64 : i32
      %swap3A_67 = arith.constant 4 : i32
      %swap3A_68 = arith.index_cast %swap3A_67 : i32 to index
      %swap3A_69 = arith.constant 0 : index
      %swap3A_70 = tpu.vector_load %arg5[%swap3A_68, %swap3A_69] {strides = array<i32>} : memref<8x16xi32, #tpu.memory_space<vmem>>, vector<16xi32>,
      tpu.vector_store %arg5[%swap3A_68, %swap3A_69], %scan3A_65#2 {strides = array<i32>} : memref<8x16xi32, #tpu.memory_space<vmem>>, vector<16xi32>,
      %swap3A_71 = arith.constant 4 : i32
      %swap3A_72 = arith.index_cast %swap3A_71 : i32 to index
      %swap3A_73 = arith.constant 0 : index
      %swap3A_74 = tpu.vector_load %arg6[%swap3A_72, %swap3A_73] {strides = array<i32>} : memref<8x16xi32, #tpu.memory_space<vmem>>, vector<16xi32>,
      tpu.vector_store %arg6[%swap3A_72, %swap3A_73], %scan3A_65#3 {strides = array<i32>} : memref<8x16xi32, #tpu.memory_space<vmem>>, vector<16xi32>,
      %scan3A_75 = arith.constant 0 : i32
      %scan3A_76 = arith.constant 64 : i32
      %scan3A_77 = arith.addi %scan3A_75, %scan3A_76 : i32
      %scan3A_78 = arith.constant 1 : i32
      %scan3A_79:4 = scf.for %scan3A_127 = %scan3A_75 to %scan3A_77 step %scan3A_78 iter_args(%scan3A_128 = %broadcast_in_dim3A_4, %scan3A_129 = %broadcast_in_dim3A_4, %scan3A_130 = %broadcast_in_dim3A_6, %scan3A_131 = %broadcast_in_dim3A_6) -> (vector<16xf32>, vector<16xf32>, vector<16xi32>, vector<16xi32>)  : i32 {
        %broadcast_in_dim3A_132 = vector.broadcast %scan3A_127 : i32 to vector<16xi32>
        %get3A = arith.index_cast %scan3A_127 : i32 to index
        %get3A_133 = arith.constant 80 : index
        %get3A_134 = tpu.vector_load %arg4[%get3A, %get3A_133] {strides = array<i32>} : memref<64x128xf32, #tpu.memory_space<vmem>>, vector<16xf32>,
        %gt3A = arith.cmpf ogt, %get3A_134, %scan3A_128 : vector<16xf32>
        %gt3A_135 = arith.cmpf ogt, %get3A_134, %scan3A_129 : vector<16xf32>
        %select_n3A = arith.select %gt3A_135, %broadcast_in_dim3A_132, %scan3A_131 : vector<16xi1>, vector<16xi32>
        %select_n3A_136 = arith.select %gt3A, %scan3A_130, %select_n3A : vector<16xi1>, vector<16xi32>
        %select_n3A_137 = arith.select %gt3A_135, %get3A_134, %scan3A_129 : vector<16xi1>, vector<16xf32>
        %select_n3A_138 = arith.select %gt3A, %scan3A_128, %select_n3A_137 : vector<16xi1>, vector<16xf32>
        %select_n3A_139 = arith.select %gt3A, %get3A_134, %scan3A_128 : vector<16xi1>, vector<16xf32>
        %select_n3A_140 = arith.select %gt3A, %broadcast_in_dim3A_132, %scan3A_130 : vector<16xi1>, vector<16xi32>
        scf.yield %select_n3A_139, %select_n3A_138, %select_n3A_140, %select_n3A_136 : vector<16xf32>, vector<16xf32>, vector<16xi32>, vector<16xi32>
      }
      %scan3A_80 = arith.constant 64 : i32
      %swap3A_81 = arith.constant 5 : i32
      %swap3A_82 = arith.index_cast %swap3A_81 : i32 to index
      %swap3A_83 = arith.constant 0 : index
      %swap3A_84 = tpu.vector_load %arg5[%swap3A_82, %swap3A_83] {strides = array<i32>} : memref<8x16xi32, #tpu.memory_space<vmem>>, vector<16xi32>,
      tpu.vector_store %arg5[%swap3A_82, %swap3A_83], %scan3A_79#2 {strides = array<i32>} : memref<8x16xi32, #tpu.memory_space<vmem>>, vector<16xi32>,
      %swap3A_85 = arith.constant 5 : i32
      %swap3A_86 = arith.index_cast %swap3A_85 : i32 to index
      %swap3A_87 = arith.constant 0 : index
      %swap3A_88 = tpu.vector_load %arg6[%swap3A_86, %swap3A_87] {strides = array<i32>} : memref<8x16xi32, #tpu.memory_space<vmem>>, vector<16xi32>,
      tpu.vector_store %arg6[%swap3A_86, %swap3A_87], %scan3A_79#3 {strides = array<i32>} : memref<8x16xi32, #tpu.memory_space<vmem>>, vector<16xi32>,
      %scan3A_89 = arith.constant 0 : i32
      %scan3A_90 = arith.constant 64 : i32
      %scan3A_91 = arith.addi %scan3A_89, %scan3A_90 : i32
      %scan3A_92 = arith.constant 1 : i32
      %scan3A_93:4 = scf.for %scan3A_127 = %scan3A_89 to %scan3A_91 step %scan3A_92 iter_args(%scan3A_128 = %broadcast_in_dim3A_4, %scan3A_129 = %broadcast_in_dim3A_4, %scan3A_130 = %broadcast_in_dim3A_6, %scan3A_131 = %broadcast_in_dim3A_6) -> (vector<16xf32>, vector<16xf32>, vector<16xi32>, vector<16xi32>)  : i32 {
        %broadcast_in_dim3A_132 = vector.broadcast %scan3A_127 : i32 to vector<16xi32>
        %get3A = arith.index_cast %scan3A_127 : i32 to index
        %get3A_133 = arith.constant 96 : index
        %get3A_134 = tpu.vector_load %arg4[%get3A, %get3A_133] {strides = array<i32>} : memref<64x128xf32, #tpu.memory_space<vmem>>, vector<16xf32>,
        %gt3A = arith.cmpf ogt, %get3A_134, %scan3A_128 : vector<16xf32>
        %gt3A_135 = arith.cmpf ogt, %get3A_134, %scan3A_129 : vector<16xf32>
        %select_n3A = arith.select %gt3A_135, %broadcast_in_dim3A_132, %scan3A_131 : vector<16xi1>, vector<16xi32>
        %select_n3A_136 = arith.select %gt3A, %scan3A_130, %select_n3A : vector<16xi1>, vector<16xi32>
        %select_n3A_137 = arith.select %gt3A_135, %get3A_134, %scan3A_129 : vector<16xi1>, vector<16xf32>
        %select_n3A_138 = arith.select %gt3A, %scan3A_128, %select_n3A_137 : vector<16xi1>, vector<16xf32>
        %select_n3A_139 = arith.select %gt3A, %get3A_134, %scan3A_128 : vector<16xi1>, vector<16xf32>
        %select_n3A_140 = arith.select %gt3A, %broadcast_in_dim3A_132, %scan3A_130 : vector<16xi1>, vector<16xi32>
        scf.yield %select_n3A_139, %select_n3A_138, %select_n3A_140, %select_n3A_136 : vector<16xf32>, vector<16xf32>, vector<16xi32>, vector<16xi32>
      }
      %scan3A_94 = arith.constant 64 : i32
      %swap3A_95 = arith.constant 6 : i32
      %swap3A_96 = arith.index_cast %swap3A_95 : i32 to index
      %swap3A_97 = arith.constant 0 : index
      %swap3A_98 = tpu.vector_load %arg5[%swap3A_96, %swap3A_97] {strides = array<i32>} : memref<8x16xi32, #tpu.memory_space<vmem>>, vector<16xi32>,
      tpu.vector_store %arg5[%swap3A_96, %swap3A_97], %scan3A_93#2 {strides = array<i32>} : memref<8x16xi32, #tpu.memory_space<vmem>>, vector<16xi32>,
      %swap3A_99 = arith.constant 6 : i32
      %swap3A_100 = arith.index_cast %swap3A_99 : i32 to index
      %swap3A_101 = arith.constant 0 : index
      %swap3A_102 = tpu.vector_load %arg6[%swap3A_100, %swap3A_101] {strides = array<i32>} : memref<8x16xi32, #tpu.memory_space<vmem>>, vector<16xi32>,
      tpu.vector_store %arg6[%swap3A_100, %swap3A_101], %scan3A_93#3 {strides = array<i32>} : memref<8x16xi32, #tpu.memory_space<vmem>>, vector<16xi32>,
      %scan3A_103 = arith.constant 0 : i32
      %scan3A_104 = arith.constant 64 : i32
      %scan3A_105 = arith.addi %scan3A_103, %scan3A_104 : i32
      %scan3A_106 = arith.constant 1 : i32
      %scan3A_107:4 = scf.for %scan3A_127 = %scan3A_103 to %scan3A_105 step %scan3A_106 iter_args(%scan3A_128 = %broadcast_in_dim3A_4, %scan3A_129 = %broadcast_in_dim3A_4, %scan3A_130 = %broadcast_in_dim3A_6, %scan3A_131 = %broadcast_in_dim3A_6) -> (vector<16xf32>, vector<16xf32>, vector<16xi32>, vector<16xi32>)  : i32 {
        %broadcast_in_dim3A_132 = vector.broadcast %scan3A_127 : i32 to vector<16xi32>
        %get3A = arith.index_cast %scan3A_127 : i32 to index
        %get3A_133 = arith.constant 112 : index
        %get3A_134 = tpu.vector_load %arg4[%get3A, %get3A_133] {strides = array<i32>} : memref<64x128xf32, #tpu.memory_space<vmem>>, vector<16xf32>,
        %gt3A = arith.cmpf ogt, %get3A_134, %scan3A_128 : vector<16xf32>
        %gt3A_135 = arith.cmpf ogt, %get3A_134, %scan3A_129 : vector<16xf32>
        %select_n3A = arith.select %gt3A_135, %broadcast_in_dim3A_132, %scan3A_131 : vector<16xi1>, vector<16xi32>
        %select_n3A_136 = arith.select %gt3A, %scan3A_130, %select_n3A : vector<16xi1>, vector<16xi32>
        %select_n3A_137 = arith.select %gt3A_135, %get3A_134, %scan3A_129 : vector<16xi1>, vector<16xf32>
        %select_n3A_138 = arith.select %gt3A, %scan3A_128, %select_n3A_137 : vector<16xi1>, vector<16xf32>
        %select_n3A_139 = arith.select %gt3A, %get3A_134, %scan3A_128 : vector<16xi1>, vector<16xf32>
        %select_n3A_140 = arith.select %gt3A, %broadcast_in_dim3A_132, %scan3A_130 : vector<16xi1>, vector<16xi32>
        scf.yield %select_n3A_139, %select_n3A_138, %select_n3A_140, %select_n3A_136 : vector<16xf32>, vector<16xf32>, vector<16xi32>, vector<16xi32>
      }
      %scan3A_108 = arith.constant 64 : i32
      %swap3A_109 = arith.constant 7 : i32
      %swap3A_110 = arith.index_cast %swap3A_109 : i32 to index
      %swap3A_111 = arith.constant 0 : index
      %swap3A_112 = tpu.vector_load %arg5[%swap3A_110, %swap3A_111] {strides = array<i32>} : memref<8x16xi32, #tpu.memory_space<vmem>>, vector<16xi32>,
      tpu.vector_store %arg5[%swap3A_110, %swap3A_111], %scan3A_107#2 {strides = array<i32>} : memref<8x16xi32, #tpu.memory_space<vmem>>, vector<16xi32>,
      %swap3A_113 = arith.constant 7 : i32
      %swap3A_114 = arith.index_cast %swap3A_113 : i32 to index
      %swap3A_115 = arith.constant 0 : index
      %swap3A_116 = tpu.vector_load %arg6[%swap3A_114, %swap3A_115] {strides = array<i32>} : memref<8x16xi32, #tpu.memory_space<vmem>>, vector<16xi32>,
      tpu.vector_store %arg6[%swap3A_114, %swap3A_115], %scan3A_107#3 {strides = array<i32>} : memref<8x16xi32, #tpu.memory_space<vmem>>, vector<16xi32>,
      %broadcast_in_dim3A_117 = arith.constant 0.000000e+00 : f32
      %broadcast_in_dim3A_118 = vector.broadcast %broadcast_in_dim3A_117 : f32 to vector<16xf32>
      %scan3A_119 = arith.constant 0 : i32
      %scan3A_120 = arith.constant 64 : i32
      %scan3A_121 = arith.addi %scan3A_119, %scan3A_120 : i32
      %scan3A_122 = arith.constant 1 : i32
      %scan3A_123 = scf.for %scan3A_127 = %scan3A_119 to %scan3A_121 step %scan3A_122 iter_args(%scan3A_128 = %broadcast_in_dim3A_118) -> (vector<16xf32>)  : i32 {
        %broadcast_in_dim3A_129 = vector.broadcast %scan3A_127 : i32 to vector<16xi32>
        %scan3A_130 = arith.constant 0 : i32
        %scan3A_131 = arith.constant 8 : i32
        %scan3A_132 = arith.addi %scan3A_130, %scan3A_131 : i32
        %scan3A_133 = arith.constant 1 : i32
        %scan3A_134 = scf.for %scan3A_139 = %scan3A_130 to %scan3A_132 step %scan3A_133 iter_args(%scan3A_140 = %broadcast_in_dim3A_6) -> (vector<16xi32>)  : i32 {
          %get3A = arith.index_cast %scan3A_139 : i32 to index
          %get3A_141 = arith.constant 0 : index
          %get3A_142 = tpu.vector_load %arg5[%get3A, %get3A_141] {strides = array<i32>} : memref<8x16xi32, #tpu.memory_space<vmem>>, vector<16xi32>,
          %eq3A_143 = arith.cmpi eq, %get3A_142, %broadcast_in_dim3A_129 : vector<16xi32>
          %get3A_144 = arith.index_cast %scan3A_139 : i32 to index
          %get3A_145 = arith.constant 0 : index
          %get3A_146 = tpu.vector_load %arg6[%get3A_144, %get3A_145] {strides = array<i32>} : memref<8x16xi32, #tpu.memory_space<vmem>>, vector<16xi32>,
          %eq3A_147 = arith.cmpi eq, %get3A_146, %broadcast_in_dim3A_129 : vector<16xi32>
          %all_reduce_population_count3A = tpu.all_reduce %eq3A_143 {dim = 0 : i64, kind = #tpu.reduction_kind<sum>} : vector<16xi1> -> vector<16xi32>
          %add3A_148 = arith.addi %scan3A_140, %all_reduce_population_count3A : vector<16xi32>
          %all_reduce_population_count3A_149 = tpu.all_reduce %eq3A_147 {dim = 0 : i64, kind = #tpu.reduction_kind<sum>} : vector<16xi1> -> vector<16xi32>
          %add3A_150 = arith.addi %add3A_148, %all_reduce_population_count3A_149 : vector<16xi32>
          scf.yield %add3A_150 : vector<16xi32>
        }
        %scan3A_135 = arith.constant 8 : i32
        %convert_element_type3A_136 = arith.sitofp %scan3A_134 : vector<16xi32> to vector<16xf32>
        %div3A = arith.constant 2.560000e+02 : f32
        %div3A_137 = vector.broadcast %div3A : f32 to vector<16xf32>
        %div3A_138 = arith.divf %convert_element_type3A_136, %div3A_137 : vector<16xf32>
        %mul3A = arith.mulf %div3A_138, %div3A_138 : vector<16xf32>
        %add3A = arith.addf %scan3A_128, %mul3A : vector<16xf32>
        scf.yield %add3A : vector<16xf32>
      }
      %scan3A_124 = arith.constant 64 : i32
      %swap3A_125 = arith.constant 0 : index
      %swap3A_126 = tpu.vector_load %arg7[%swap3A_125] {strides = array<i32>} : memref<16xf32, #tpu.memory_space<vmem>>, vector<16xf32>,
      tpu.vector_store %arg7[%swap3A_125], %scan3A_123 {strides = array<i32>} : memref<16xf32, #tpu.memory_space<vmem>>, vector<16xf32>,
      "tpu.region"() ({
        %run_scoped3A = tpu.sem_alloc : memref<!tpu.dma_semaphore, #tpu.memory_space<semaphore_mem>>
        tpu.enqueue_dma source(%arg7 : memref<16xf32, #tpu.memory_space<vmem>>) target(%arg3 : memref<16xf32, #tpu.memory_space<hbm>>) target_semaphore(%run_scoped3A : memref<!tpu.dma_semaphore, #tpu.memory_space<semaphore_mem>>)
        tpu.wait_dma2 semaphore(%run_scoped3A : memref<!tpu.dma_semaphore, #tpu.memory_space<semaphore_mem>>) src(%arg7 : memref<16xf32, #tpu.memory_space<vmem>>) dst(%arg3 : memref<16xf32, #tpu.memory_space<hbm>>)
        tpu.yield
      }) : () -> ()
    } else {
    }
    return
  }
}

module attributes {stable_mosaic.version = 14 : i64} {
  func.func @_gating_body(%arg0: memref<128x768xf32, #tpu.memory_space<vmem>>, %arg1: memref<768x64xf32, #tpu.memory_space<vmem>>, %arg2: memref<1x64xf32, #tpu.memory_space<vmem>>, %arg3: memref<64x128xf32, #tpu.memory_space<vmem>>) attributes {dimension_semantics = [], scalar_prefetch = 0 : i64, scratch_operands = 0 : i64, tpu.core_type = #tpu.core_type<tc>} {
    %get3A = arith.constant 0 : index
    %get3A_0 = arith.constant 0 : index
    %get3A_1 = vector.load %arg0[%get3A, %get3A_0] : memref<128x768xf32, #tpu.memory_space<vmem>>, vector<128x768xf32>
    %get3A_2 = arith.constant 0 : index
    %get3A_3 = arith.constant 0 : index
    %get3A_4 = vector.load %arg1[%get3A_2, %get3A_3] : memref<768x64xf32, #tpu.memory_space<vmem>>, vector<768x64xf32>
    %dot_general3A = arith.constant dense<0.000000e+00> : vector<128x64xf32>
    %dot_general3A_5 = tpu.matmul %get3A_1, %get3A_4, %dot_general3A {dimension_numbers = #tpu.dot_dimension_numbers<[1], [0], [0], [1], [0, 0, 1, 1], [], []>, transpose_lhs_hint = false} : vector<128x768xf32>, vector<768x64xf32>, vector<128x64xf32> -> vector<128x64xf32>
    %get3A_6 = arith.constant 0 : index
    %get3A_7 = arith.constant 0 : index
    %get3A_8 = vector.load %arg2[%get3A_6, %get3A_7] : memref<1x64xf32, #tpu.memory_space<vmem>>, vector<1x64xf32>
    %add3A = vector.broadcast %get3A_8 : vector<1x64xf32> to vector<128x64xf32>
    %add3A_9 = arith.addf %dot_general3A_5, %add3A : vector<128x64xf32>
    %reduce_max3A = arith.constant dense<0xFF800000> : vector<128xf32>
    %reduce_max3A_10 = vector.multi_reduction <maximumf>, %add3A_9, %reduce_max3A [1] : vector<128x64xf32> to vector<128xf32>
    %broadcast_in_dim3A = vector.shape_cast %reduce_max3A_10 : vector<128xf32> to vector<128x1xf32>
    %sub3A = vector.broadcast %broadcast_in_dim3A : vector<128x1xf32> to vector<128x64xf32>
    %sub3A_11 = arith.subf %add3A_9, %sub3A : vector<128x64xf32>
    %exp3A = math.exp %sub3A_11 : vector<128x64xf32>
    %reduce_sum3A = arith.constant dense<0.000000e+00> : vector<128xf32>
    %reduce_sum3A_12 = vector.multi_reduction <add>, %exp3A, %reduce_sum3A [1] : vector<128x64xf32> to vector<128xf32>
    %broadcast_in_dim3A_13 = vector.shape_cast %reduce_sum3A_12 : vector<128xf32> to vector<128x1xf32>
    %div3A = vector.broadcast %broadcast_in_dim3A_13 : vector<128x1xf32> to vector<128x64xf32>
    %div3A_14 = arith.divf %exp3A, %div3A : vector<128x64xf32>
    %transpose3A = tpu.transpose %div3A_14, [1, 0] : vector<128x64xf32> -> vector<64x128xf32>
    %swap3A = arith.constant 0 : index
    %swap3A_15 = arith.constant 0 : index
    %swap3A_16 = vector.load %arg3[%swap3A, %swap3A_15] : memref<64x128xf32, #tpu.memory_space<vmem>>, vector<64x128xf32>
    tpu.vector_store %arg3[%swap3A, %swap3A_15], %transpose3A {strides = array<i32>} : memref<64x128xf32, #tpu.memory_space<vmem>>, vector<64x128xf32>,
    return
  }
}

module attributes {stable_mosaic.version = 14 : i64} {
  func.func @_moe_body(%arg0: i32, %arg1: memref<128x768xf32, #tpu.memory_space<vmem>>, %arg2: memref<768x64xf32, #tpu.memory_space<vmem>>, %arg3: memref<1x64xf32, #tpu.memory_space<vmem>>, %arg4: memref<2x768x768xf32, #tpu.memory_space<vmem>>, %arg5: memref<2x1x768xf32, #tpu.memory_space<vmem>>, %arg6: memref<2x768x768xf32, #tpu.memory_space<vmem>>, %arg7: memref<2x1x768xf32, #tpu.memory_space<vmem>>, %arg8: memref<128x768xf32, #tpu.memory_space<vmem>>, %arg9: memref<128x64xf32, #tpu.memory_space<vmem>>) attributes {dimension_semantics = [#tpu.dimension_semantics<arbitrary>], iteration_bounds = array<i64: 32>, scalar_prefetch = 0 : i64, scratch_operands = 1 : i64, tpu.core_type = #tpu.core_type<tc>, window_params = [{pipeline_mode = #tpu.pipeline_mode<synchronous>, transform_indices = @transform_0, window_bounds = array<i64: 128, 768>}, {pipeline_mode = #tpu.pipeline_mode<synchronous>, transform_indices = @transform_1, window_bounds = array<i64: 768, 64>}, {pipeline_mode = #tpu.pipeline_mode<synchronous>, transform_indices = @transform_2, window_bounds = array<i64: 1, 64>}, {transform_indices = @transform_3, window_bounds = array<i64: 2, 768, 768>}, {transform_indices = @transform_4, window_bounds = array<i64: 2, 1, 768>}, {transform_indices = @transform_5, window_bounds = array<i64: 2, 768, 768>}, {transform_indices = @transform_6, window_bounds = array<i64: 2, 1, 768>}, {pipeline_mode = #tpu.pipeline_mode<synchronous>, transform_indices = @transform_7, window_bounds = array<i64: 128, 768>}]} {
    %eq3A = arith.constant 0 : i32
    %eq3A_0 = arith.cmpi eq, %arg0, %eq3A : i32
    %convert_element_type3A = arith.extui %eq3A_0 : i1 to i32
    %cond3A = arith.constant 0 : i32
    %cond3A_1 = arith.cmpi ne, %convert_element_type3A, %cond3A : i32
    scf.if %cond3A_1 {
      %get3A_109 = arith.constant 0 : index
      %get3A_110 = arith.constant 0 : index
      %get3A_111 = vector.load %arg1[%get3A_109, %get3A_110] : memref<128x768xf32, #tpu.memory_space<vmem>>, vector<128x768xf32>
      %get3A_112 = arith.constant 0 : index
      %get3A_113 = arith.constant 0 : index
      %get3A_114 = vector.load %arg2[%get3A_112, %get3A_113] : memref<768x64xf32, #tpu.memory_space<vmem>>, vector<768x64xf32>
      %dot_general3A_115 = arith.constant dense<0.000000e+00> : vector<128x64xf32>
      %dot_general3A_116 = tpu.matmul %get3A_111, %get3A_114, %dot_general3A_115 {dimension_numbers = #tpu.dot_dimension_numbers<[1], [0], [0], [1], [0, 0, 1, 1], [], []>, transpose_lhs_hint = false} : vector<128x768xf32>, vector<768x64xf32>, vector<128x64xf32> -> vector<128x64xf32>
      %get3A_117 = arith.constant 0 : index
      %get3A_118 = arith.constant 0 : index
      %get3A_119 = vector.load %arg3[%get3A_117, %get3A_118] : memref<1x64xf32, #tpu.memory_space<vmem>>, vector<1x64xf32>
      %add3A_120 = vector.broadcast %get3A_119 : vector<1x64xf32> to vector<128x64xf32>
      %add3A_121 = arith.addf %dot_general3A_116, %add3A_120 : vector<128x64xf32>
      %reduce_max3A = arith.constant dense<0xFF800000> : vector<128xf32>
      %reduce_max3A_122 = vector.multi_reduction <maximumf>, %add3A_121, %reduce_max3A [1] : vector<128x64xf32> to vector<128xf32>
      %broadcast_in_dim3A_123 = vector.shape_cast %reduce_max3A_122 : vector<128xf32> to vector<128x1xf32>
      %sub3A = vector.broadcast %broadcast_in_dim3A_123 : vector<128x1xf32> to vector<128x64xf32>
      %sub3A_124 = arith.subf %add3A_121, %sub3A : vector<128x64xf32>
      %exp3A = math.exp %sub3A_124 : vector<128x64xf32>
      %reduce_sum3A_125 = arith.constant dense<0.000000e+00> : vector<128xf32>
      %reduce_sum3A_126 = vector.multi_reduction <add>, %exp3A, %reduce_sum3A_125 [1] : vector<128x64xf32> to vector<128xf32>
      %broadcast_in_dim3A_127 = vector.shape_cast %reduce_sum3A_126 : vector<128xf32> to vector<128x1xf32>
      %div3A = vector.broadcast %broadcast_in_dim3A_127 : vector<128x1xf32> to vector<128x64xf32>
      %div3A_128 = arith.divf %exp3A, %div3A : vector<128x64xf32>
      %iota3A_129 = tpu.iota {dimensions = array<i32: 1>} : vector<128x64xi32>
      %argmax3A = tpu.reduce_index %div3A_128 {axis = 1 : i32, kind = #tpu.reduction_kind<arg_max>} : vector<128x64xf32> -> vector<128xi32>
      %broadcast_in_dim3A_130 = vector.shape_cast %argmax3A : vector<128xi32> to vector<128x1xi32>
      %eq3A_131 = vector.broadcast %broadcast_in_dim3A_130 : vector<128x1xi32> to vector<128x64xi32>
      %eq3A_132 = arith.cmpi eq, %iota3A_129, %eq3A_131 : vector<128x64xi32>
      %jit3A_133 = arith.constant 0xFF800000 : f32
      %broadcast_in_dim3A_134 = vector.broadcast %jit3A_133 : f32 to vector<128x64xf32>
      %select_n3A_135 = arith.select %eq3A_132, %broadcast_in_dim3A_134, %div3A_128 : vector<128x64xi1>, vector<128x64xf32>
      %argmax3A_136 = tpu.reduce_index %select_n3A_135 {axis = 1 : i32, kind = #tpu.reduction_kind<arg_max>} : vector<128x64xf32> -> vector<128xi32>
      %broadcast_in_dim3A_137 = vector.shape_cast %argmax3A_136 : vector<128xi32> to vector<128x1xi32>
      %eq3A_138 = vector.broadcast %broadcast_in_dim3A_137 : vector<128x1xi32> to vector<128x64xi32>
      %eq3A_139 = arith.cmpi eq, %iota3A_129, %eq3A_138 : vector<128x64xi32>
      %or3A = arith.ori %eq3A_132, %eq3A_139 : vector<128x64xi1>
      %jit3A_140 = arith.constant 0.000000e+00 : f32
      %broadcast_in_dim3A_141 = vector.broadcast %jit3A_140 : f32 to vector<128x64xf32>
      %select_n3A_142 = arith.select %or3A, %div3A_128, %broadcast_in_dim3A_141 : vector<128x64xi1>, vector<128x64xf32>
      %swap3A_143 = arith.constant 0 : index
      %swap3A_144 = arith.constant 0 : index
      %swap3A_145 = vector.load %arg9[%swap3A_143, %swap3A_144] : memref<128x64xf32, #tpu.memory_space<vmem>>, vector<128x64xf32>
      tpu.vector_store %arg9[%swap3A_143, %swap3A_144], %select_n3A_142 {strides = array<i32>} : memref<128x64xf32, #tpu.memory_space<vmem>>, vector<128x64xf32>,
      %broadcast_in_dim3A_146 = arith.constant 0.000000e+00 : f32
      %broadcast_in_dim3A_147 = vector.broadcast %broadcast_in_dim3A_146 : f32 to vector<128x768xf32>
      %swap3A_148 = arith.constant 0 : index
      %swap3A_149 = arith.constant 0 : index
      %swap3A_150 = vector.load %arg8[%swap3A_148, %swap3A_149] : memref<128x768xf32, #tpu.memory_space<vmem>>, vector<128x768xf32>
      tpu.vector_store %arg8[%swap3A_148, %swap3A_149], %broadcast_in_dim3A_147 {strides = array<i32>} : memref<128x768xf32, #tpu.memory_space<vmem>>, vector<128x768xf32>,
    } else {
    }
    %iota3A = tpu.iota {dimensions = array<i32: 1>} : vector<128x64xi32>
    %get3A = arith.constant 0 : index
    %get3A_2 = arith.constant 0 : index
    %get3A_3 = vector.load %arg1[%get3A, %get3A_2] : memref<128x768xf32, #tpu.memory_space<vmem>>, vector<128x768xf32>
    %convert_element_type3A_4 = arith.truncf %get3A_3 : vector<128x768xf32> to vector<128x768xbf16>
    %broadcast_in_dim3A = arith.constant 0.000000e+00 : f32
    %broadcast_in_dim3A_5 = vector.broadcast %broadcast_in_dim3A : f32 to vector<128x768xf32>
    %mul3A = arith.constant 2 : i32
    %mul3A_6 = arith.muli %arg0, %mul3A : i32
    %add3A = arith.constant 0 : i32
    %add3A_7 = arith.addi %mul3A_6, %add3A : i32
    %eq3A_8 = vector.broadcast %add3A_7 : i32 to vector<128x64xi32>
    %eq3A_9 = arith.cmpi eq, %iota3A, %eq3A_8 : vector<128x64xi32>
    %get3A_10 = arith.constant 0 : index
    %get3A_11 = arith.constant 0 : index
    %get3A_12 = vector.load %arg9[%get3A_10, %get3A_11] : memref<128x64xf32, #tpu.memory_space<vmem>>, vector<128x64xf32>
    %jit3A = arith.constant 0.000000e+00 : f32
    %broadcast_in_dim3A_13 = vector.broadcast %jit3A : f32 to vector<128x64xf32>
    %select_n3A = arith.select %eq3A_9, %get3A_12, %broadcast_in_dim3A_13 : vector<128x64xi1>, vector<128x64xf32>
    %reduce_sum3A = arith.constant dense<0.000000e+00> : vector<128xf32>
    %reduce_sum3A_14 = vector.multi_reduction <add>, %select_n3A, %reduce_sum3A [1] : vector<128x64xf32> to vector<128xf32>
    %get3A_15 = arith.constant 0 : index
    %get3A_16 = arith.constant 0 : index
    %get3A_17 = arith.constant 0 : index
    %get3A_18 = vector.load %arg4[%get3A_15, %get3A_16, %get3A_17] : memref<2x768x768xf32, #tpu.memory_space<vmem>>, vector<1x768x768xf32>
    %get3A_19 = vector.shape_cast %get3A_18 : vector<1x768x768xf32> to vector<768x768xf32>
    %convert_element_type3A_20 = arith.truncf %get3A_19 : vector<768x768xf32> to vector<768x768xbf16>
    %dot_general3A = arith.constant dense<0.000000e+00> : vector<128x768xf32>
    %dot_general3A_21 = tpu.matmul %convert_element_type3A_4, %convert_element_type3A_20, %dot_general3A {dimension_numbers = #tpu.dot_dimension_numbers<[1], [0], [0], [1], [0, 0, 1, 1], [], []>, transpose_lhs_hint = false} : vector<128x768xbf16>, vector<768x768xbf16>, vector<128x768xf32> -> vector<128x768xf32>
    %get3A_22 = arith.constant 0 : index
    %get3A_23 = arith.constant 0 : index
    %get3A_24 = arith.constant 0 : index
    %get3A_25 = vector.load %arg5[%get3A_22, %get3A_23, %get3A_24] : memref<2x1x768xf32, #tpu.memory_space<vmem>>, vector<1x1x768xf32>
    %get3A_26 = vector.shape_cast %get3A_25 : vector<1x1x768xf32> to vector<1x768xf32>
    %add3A_27 = vector.broadcast %get3A_26 : vector<1x768xf32> to vector<128x768xf32>
    %add3A_28 = arith.addf %dot_general3A_21, %add3A_27 : vector<128x768xf32>
    %max3A = arith.constant 0.000000e+00 : f32
    %max3A_29 = vector.broadcast %max3A : f32 to vector<128x768xf32>
    %max3A_30 = arith.maximumf %add3A_28, %max3A_29 : vector<128x768xf32>
    %convert_element_type3A_31 = arith.truncf %max3A_30 : vector<128x768xf32> to vector<128x768xbf16>
    %get3A_32 = arith.constant 0 : index
    %get3A_33 = arith.constant 0 : index
    %get3A_34 = arith.constant 0 : index
    %get3A_35 = vector.load %arg6[%get3A_32, %get3A_33, %get3A_34] : memref<2x768x768xf32, #tpu.memory_space<vmem>>, vector<1x768x768xf32>
    %get3A_36 = vector.shape_cast %get3A_35 : vector<1x768x768xf32> to vector<768x768xf32>
    %convert_element_type3A_37 = arith.truncf %get3A_36 : vector<768x768xf32> to vector<768x768xbf16>
    %dot_general3A_38 = arith.constant dense<0.000000e+00> : vector<128x768xf32>
    %dot_general3A_39 = tpu.matmul %convert_element_type3A_31, %convert_element_type3A_37, %dot_general3A_38 {dimension_numbers = #tpu.dot_dimension_numbers<[1], [0], [0], [1], [0, 0, 1, 1], [], []>, transpose_lhs_hint = false} : vector<128x768xbf16>, vector<768x768xbf16>, vector<128x768xf32> -> vector<128x768xf32>
    %get3A_40 = arith.constant 0 : index
    %get3A_41 = arith.constant 0 : index
    %get3A_42 = arith.constant 0 : index
    %get3A_43 = vector.load %arg7[%get3A_40, %get3A_41, %get3A_42] : memref<2x1x768xf32, #tpu.memory_space<vmem>>, vector<1x1x768xf32>
    %get3A_44 = vector.shape_cast %get3A_43 : vector<1x1x768xf32> to vector<1x768xf32>
    %add3A_45 = vector.broadcast %get3A_44 : vector<1x768xf32> to vector<128x768xf32>
    %add3A_46 = arith.addf %dot_general3A_39, %add3A_45 : vector<128x768xf32>
    %broadcast_in_dim3A_47 = vector.shape_cast %reduce_sum3A_14 : vector<128xf32> to vector<128x1xf32>
    %mul3A_48 = vector.broadcast %broadcast_in_dim3A_47 : vector<128x1xf32> to vector<128x768xf32>
    %mul3A_49 = arith.mulf %mul3A_48, %add3A_46 : vector<128x768xf32>
    %add3A_50 = arith.addf %broadcast_in_dim3A_5, %mul3A_49 : vector<128x768xf32>
    %mul3A_51 = arith.constant 2 : i32
    %mul3A_52 = arith.muli %arg0, %mul3A_51 : i32
    %add3A_53 = arith.constant 1 : i32
    %add3A_54 = arith.addi %mul3A_52, %add3A_53 : i32
    %eq3A_55 = vector.broadcast %add3A_54 : i32 to vector<128x64xi32>
    %eq3A_56 = arith.cmpi eq, %iota3A, %eq3A_55 : vector<128x64xi32>
    %get3A_57 = arith.constant 0 : index
    %get3A_58 = arith.constant 0 : index
    %get3A_59 = vector.load %arg9[%get3A_57, %get3A_58] : memref<128x64xf32, #tpu.memory_space<vmem>>, vector<128x64xf32>
    %jit3A_60 = arith.constant 0.000000e+00 : f32
    %broadcast_in_dim3A_61 = vector.broadcast %jit3A_60 : f32 to vector<128x64xf32>
    %select_n3A_62 = arith.select %eq3A_56, %get3A_59, %broadcast_in_dim3A_61 : vector<128x64xi1>, vector<128x64xf32>
    %reduce_sum3A_63 = arith.constant dense<0.000000e+00> : vector<128xf32>
    %reduce_sum3A_64 = vector.multi_reduction <add>, %select_n3A_62, %reduce_sum3A_63 [1] : vector<128x64xf32> to vector<128xf32>
    %get3A_65 = arith.constant 1 : index
    %get3A_66 = arith.constant 0 : index
    %get3A_67 = arith.constant 0 : index
    %get3A_68 = vector.load %arg4[%get3A_65, %get3A_66, %get3A_67] : memref<2x768x768xf32, #tpu.memory_space<vmem>>, vector<1x768x768xf32>
    %get3A_69 = vector.shape_cast %get3A_68 : vector<1x768x768xf32> to vector<768x768xf32>
    %convert_element_type3A_70 = arith.truncf %get3A_69 : vector<768x768xf32> to vector<768x768xbf16>
    %dot_general3A_71 = arith.constant dense<0.000000e+00> : vector<128x768xf32>
    %dot_general3A_72 = tpu.matmul %convert_element_type3A_4, %convert_element_type3A_70, %dot_general3A_71 {dimension_numbers = #tpu.dot_dimension_numbers<[1], [0], [0], [1], [0, 0, 1, 1], [], []>, transpose_lhs_hint = false} : vector<128x768xbf16>, vector<768x768xbf16>, vector<128x768xf32> -> vector<128x768xf32>
    %get3A_73 = arith.constant 1 : index
    %get3A_74 = arith.constant 0 : index
    %get3A_75 = arith.constant 0 : index
    %get3A_76 = vector.load %arg5[%get3A_73, %get3A_74, %get3A_75] : memref<2x1x768xf32, #tpu.memory_space<vmem>>, vector<1x1x768xf32>
    %get3A_77 = vector.shape_cast %get3A_76 : vector<1x1x768xf32> to vector<1x768xf32>
    %add3A_78 = vector.broadcast %get3A_77 : vector<1x768xf32> to vector<128x768xf32>
    %add3A_79 = arith.addf %dot_general3A_72, %add3A_78 : vector<128x768xf32>
    %max3A_80 = arith.constant 0.000000e+00 : f32
    %max3A_81 = vector.broadcast %max3A_80 : f32 to vector<128x768xf32>
    %max3A_82 = arith.maximumf %add3A_79, %max3A_81 : vector<128x768xf32>
    %convert_element_type3A_83 = arith.truncf %max3A_82 : vector<128x768xf32> to vector<128x768xbf16>
    %get3A_84 = arith.constant 1 : index
    %get3A_85 = arith.constant 0 : index
    %get3A_86 = arith.constant 0 : index
    %get3A_87 = vector.load %arg6[%get3A_84, %get3A_85, %get3A_86] : memref<2x768x768xf32, #tpu.memory_space<vmem>>, vector<1x768x768xf32>
    %get3A_88 = vector.shape_cast %get3A_87 : vector<1x768x768xf32> to vector<768x768xf32>
    %convert_element_type3A_89 = arith.truncf %get3A_88 : vector<768x768xf32> to vector<768x768xbf16>
    %dot_general3A_90 = arith.constant dense<0.000000e+00> : vector<128x768xf32>
    %dot_general3A_91 = tpu.matmul %convert_element_type3A_83, %convert_element_type3A_89, %dot_general3A_90 {dimension_numbers = #tpu.dot_dimension_numbers<[1], [0], [0], [1], [0, 0, 1, 1], [], []>, transpose_lhs_hint = false} : vector<128x768xbf16>, vector<768x768xbf16>, vector<128x768xf32> -> vector<128x768xf32>
    %get3A_92 = arith.constant 1 : index
    %get3A_93 = arith.constant 0 : index
    %get3A_94 = arith.constant 0 : index
    %get3A_95 = vector.load %arg7[%get3A_92, %get3A_93, %get3A_94] : memref<2x1x768xf32, #tpu.memory_space<vmem>>, vector<1x1x768xf32>
    %get3A_96 = vector.shape_cast %get3A_95 : vector<1x1x768xf32> to vector<1x768xf32>
    %add3A_97 = vector.broadcast %get3A_96 : vector<1x768xf32> to vector<128x768xf32>
    %add3A_98 = arith.addf %dot_general3A_91, %add3A_97 : vector<128x768xf32>
    %broadcast_in_dim3A_99 = vector.shape_cast %reduce_sum3A_64 : vector<128xf32> to vector<128x1xf32>
    %mul3A_100 = vector.broadcast %broadcast_in_dim3A_99 : vector<128x1xf32> to vector<128x768xf32>
    %mul3A_101 = arith.mulf %mul3A_100, %add3A_98 : vector<128x768xf32>
    %add3A_102 = arith.addf %add3A_50, %mul3A_101 : vector<128x768xf32>
    %get3A_103 = arith.constant 0 : index
    %get3A_104 = arith.constant 0 : index
    %get3A_105 = vector.load %arg8[%get3A_103, %get3A_104] : memref<128x768xf32, #tpu.memory_space<vmem>>, vector<128x768xf32>
    %add3A_106 = arith.addf %get3A_105, %add3A_102 : vector<128x768xf32>
    %swap3A = arith.constant 0 : index
    %swap3A_107 = arith.constant 0 : index
    %swap3A_108 = vector.load %arg8[%swap3A, %swap3A_107] : memref<128x768xf32, #tpu.memory_space<vmem>>, vector<128x768xf32>
    tpu.vector_store %arg8[%swap3A, %swap3A_107], %add3A_106 {strides = array<i32>} : memref<128x768xf32, #tpu.memory_space<vmem>>, vector<128x768xf32>,
    return
  }
  func.func @transform_0(%arg0: i32) -> (i32, i32) {
    %c0_i32 = arith.constant 0 : i32
    %c0_i32_0 = arith.constant 0 : i32
    %c0_i32_1 = arith.constant 0 : i32
    return %c0_i32, %c0_i32_0 : i32, i32
  }
  func.func @transform_1(%arg0: i32) -> (i32, i32) {
    %c0_i32 = arith.constant 0 : i32
    %c0_i32_0 = arith.constant 0 : i32
    %c0_i32_1 = arith.constant 0 : i32
    return %c0_i32, %c0_i32_0 : i32, i32
  }
  func.func @transform_2(%arg0: i32) -> (i32, i32) {
    %c0_i32 = arith.constant 0 : i32
    %c0_i32_0 = arith.constant 0 : i32
    %c0_i32_1 = arith.constant 0 : i32
    return %c0_i32, %c0_i32_0 : i32, i32
  }
  func.func @transform_3(%arg0: i32) -> (i32, i32, i32) {
    %c0_i32 = arith.constant 0 : i32
    %c0_i32_0 = arith.constant 0 : i32
    %c0_i32_1 = arith.constant 0 : i32
    return %arg0, %c0_i32, %c0_i32_0 : i32, i32, i32
  }
  func.func @transform_4(%arg0: i32) -> (i32, i32, i32) {
    %c0_i32 = arith.constant 0 : i32
    %c0_i32_0 = arith.constant 0 : i32
    %c0_i32_1 = arith.constant 0 : i32
    return %arg0, %c0_i32, %c0_i32_0 : i32, i32, i32
  }
  func.func @transform_5(%arg0: i32) -> (i32, i32, i32) {
    %c0_i32 = arith.constant 0 : i32
    %c0_i32_0 = arith.constant 0 : i32
    %c0_i32_1 = arith.constant 0 : i32
    return %arg0, %c0_i32, %c0_i32_0 : i32, i32, i32
  }
  func.func @transform_6(%arg0: i32) -> (i32, i32, i32) {
    %c0_i32 = arith.constant 0 : i32
    %c0_i32_0 = arith.constant 0 : i32
    %c0_i32_1 = arith.constant 0 : i32
    return %arg0, %c0_i32, %c0_i32_0 : i32, i32, i32
  }
  func.func @transform_7(%arg0: i32) -> (i32, i32) {
    %c0_i32 = arith.constant 0 : i32
    %c0_i32_0 = arith.constant 0 : i32
    %c0_i32_1 = arith.constant 0 : i32
    return %c0_i32, %c0_i32_0 : i32, i32
  }
}

</mosaic_0001>

<sc_bundles>
// kernel: kernel.5.cloned.1.call-start
scs
__scs_entry_jumppad:
0x0: {  	(pc) =	sbr.rel $0x88, $3  }
0x1: {  	(tag) =	ssettag $0x0;
	lr =	simm.s32 $0x1  }
0x2: {  	[smem:$0x3F9A] =	sst lr;
	_ =	strace $0xD0000000  }
0x3: {  	_ = 	snop  }
0x4: {  	_ = 	snop  }
0x5: {  	_ = 	snop  }
0x6: {  	_ = 	snop  }
0x7: {  	_ = 	snop  }
__scs_overlays_trampoline_lowered:
0x8: {  	[smem:$0x3FA9] =	sst s0  }
0x9: {  	[smem:$0x3FAA] =	sst s1  }
0xa: {  	[smem:$0x3FAB] =	sst s2  }
0xb: {  	[smem:$0x3FAC] =	sst s3  }
0xc: {  	[smem:$0x3FAD] =	sst s4  }
0xd: {  	[smem:$0x3FAE] =	sst s5  }
0xe: {  	[smem:$0x3FAF] =	sst s6  }
0xf: {  	[smem:$0x3FB0] =	sst s7  }
0x10: {  	[smem:$0x3FB1] =	sst s8  }
0x11: {  	[smem:$0x3FB2] =	sst s9;
	s0 =	simm.s32 @!p0 $0x0  }
0x12: {  	s1 =	sld [smem:$0x3F98];
	s0 =	simm.s32 @p0 $0x1  }
0x13: {  	[smem:$0x3FB3] =	sst s0;
	s0 =	simm.s32 @!p1 $0x0  }
0x14: {  	s2 =	sld [smem:$0x3F97];
	s0 =	simm.s32 @p1 $0x1  }
0x15: {  	[smem:$0x3FB4] =	sst s0;
	s0 =	simm.s32 @!p2 $0x0  }
0x16: {  	s3 =	sld [smem:$0x3FDB];
	s0 =	simm.s32 @p2 $0x1  }
0x17: {  	s4 =	simm.s32 $0x1BF5;
	[smem:$0x3FB6] =	sst s0  }
0x18: {  	s0 =	sld [smem:$0x3F99];
	_ =	swait.ge [sflag:s4], $0x0  }
0x19: {  	s7 =	sld [smem:$0x3F9A]  }
0x1a: {  	s8 =	sadd.s32 $0xFFFFE003, lr  }
0x1b: {  	s9 =	sadd.s32 $0xFFFFFEF7, lr;
	s5 =	simm.s32 $0xFFFFFFFF;
	p2 =	slt.u32 s8, $0xFFFFF086  }
0x1c: {  	p1 =	slt.u32 s9, $0xF7A;
	s5 =	simm.s32 @!p2 $0x0  }
0x1d: {  	s5 =	simm.s32 @p1 $0x1;
	p0 =	seq.s32 s7, s2  }
0x1e: {  	s7 =	smul.u32 @!p0 $0xF7A, s2;
	p2 =	seq.s32 @!p0 s5, $0x0  }
0x1f: {  	s9 =	smul.u32 $0xF7A, s1;
	s8 =	simm.s32 @!p0 $0x1BF5;
	p2 =	por !p2, p0  }
0x20: {  	[sflag:s8] =	ssyncset.s32 @!p0 $0xFFFFF086;
	s6 =	sadd.s32 @!p0 s3, s7;
	s7 =	simm.s32 @!p0 $0x108  }
0x21: {  	s3 =	sadd.s32 s3, s9;
	s6 =	sadd.s32 @!p0 $0x88, s6;
	s7 =	simm.s32 @p2 $0x1082  }
0x22: {  	[simem:s7], [sflag:s8] =	dma.local @!p0 [hbm:s6], $0xF7A  }
0x23: {  	s9 =	sor.u32 $0xD0000000, s2;
	s6 =	simm.s32 $0x108;
	_ =	swait.ge @!p0 [sflag:s8], $0x0  }
0x24: {  	s3 =	sadd.s32 $0x88, s3;
	s6 =	simm.s32 @!p1 $0x1082;
	[sflag:s4] =	ssyncset.s32 $0xFFFFF086  }
0x25: {  	[simem:s6], [sflag:s4] =	dma.local [hbm:s3], $0xF7A  }
0x26: {  	[smem:$0x3F9A] =	sst s1;
	(tag) =	ssettag s2;
	_ =	strace s9  }
0x27: {  	s1 =	sld [smem:$0x3FAA]  }
0x28: {  	s2 =	sld [smem:$0x3FAB]  }
0x29: {  	s4 =	sld [smem:$0x3FAD]  }
0x2a: {  	p0 =	seq.s32 s5, $0x0;
	s5 =	sld [smem:$0x3FAE]  }
0x2b: {  	s6 =	sld [smem:$0x3FAF]  }
0x2c: {  	s7 =	sld [smem:$0x3FB0]  }
0x2d: {  	s3 =	simm.s32 $0x108;
	s8 =	sld [smem:$0x3FB1]  }
0x2e: {  	s3 =	simm.s32 @!p0 $0x1082;
	s9 =	sld [smem:$0x3FB2]  }
0x2f: {  	lr =	sadd.s32 s0, s3;
	s0 =	sld [smem:$0x3FA9]  }
0x30: {  	s3 =	sld [smem:$0x3FAC]  }
0x31: {  	[smem:$0x3FB5] =	sst s10  }
0x32: {  	s10 =	sld [smem:$0x3FB3];
	_ =	sdelay $0x3  }
0x33: {  	p0 =	seq.s32 s10, $0x1;
	s10 =	sld [smem:$0x3FB5];
	_ =	sdelay $0x3  }
0x34: {  	[smem:$0x3FB5] =	sst s10  }
0x35: {  	s10 =	sld [smem:$0x3FB4];
	_ =	sdelay $0x3  }
0x36: {  	p1 =	seq.s32 s10, $0x1;
	s10 =	sld [smem:$0x3FB5];
	_ =	sdelay $0x3  }
0x37: {  	[smem:$0x3FB5] =	sst s10  }
0x38: {  	s10 =	sld [smem:$0x3FB6]  }
0x39: {  	_ = 	snop;
	(pc) =	sbr.ind lr, $3  }
0x3a: {  	_ = 	snop  }
0x3b: {  	_ = 	snop  }
0x3c: {  	p2 =	seq.s32 s10, $0x1;
	s10 =	sld [smem:$0x3FB5]  }
0x3d: {  	_ =	shalt  }
0x3e: {  	_ =	shalt  }
0x3f: {  	_ =	shalt  }
0x40: {  	_ =	shalt  }
0x41: {  	_ =	shalt  }
0x42: {  	_ =	shalt  }
0x43: {  	_ =	shalt  }
0x44: {  	_ =	shalt  }
0x45: {  	_ =	shalt  }
0x46: {  	_ =	shalt  }
0x47: {  	_ =	shalt  }
0x48: {  	_ =	shalt  }
0x49: {  	_ =	shalt  }
0x4a: {  	_ =	shalt  }
0x4b: {  	_ =	shalt  }
0x4c: {  	_ =	shalt  }
0x4d: {  	_ =	shalt  }
0x4e: {  	_ =	shalt  }
0x4f: {  	_ =	shalt  }
0x50: {  	_ =	shalt  }
0x51: {  	_ =	shalt  }
0x52: {  	_ =	shalt  }
0x53: {  	_ =	shalt  }
0x54: {  	_ =	shalt  }
0x55: {  	_ =	shalt  }
0x56: {  	_ =	shalt  }
0x57: {  	_ =	shalt  }
0x58: {  	_ =	shalt  }
0x59: {  	_ =	shalt  }
0x5a: {  	_ =	shalt  }
0x5b: {  	_ =	shalt  }
0x5c: {  	_ =	shalt  }
0x5d: {  	_ =	shalt  }
0x5e: {  	_ =	shalt  }
0x5f: {  	_ =	shalt  }
0x60: {  	_ =	shalt  }
0x61: {  	_ =	shalt  }
0x62: {  	_ =	shalt  }
0x63: {  	_ =	shalt  }
0x64: {  	_ =	shalt  }
0x65: {  	_ =	shalt  }
0x66: {  	_ =	shalt  }
0x67: {  	_ =	shalt  }
0x68: {  	_ =	shalt  }
0x69: {  	_ =	shalt  }
0x6a: {  	_ =	shalt  }
0x6b: {  	_ =	shalt  }
0x6c: {  	_ =	shalt  }
0x6d: {  	_ =	shalt  }
0x6e: {  	_ =	shalt  }
0x6f: {  	_ =	shalt  }
0x70: {  	_ =	shalt  }
0x71: {  	_ =	shalt  }
0x72: {  	_ =	shalt  }
0x73: {  	_ =	shalt  }
0x74: {  	_ =	shalt  }
0x75: {  	_ =	shalt  }
0x76: {  	_ =	shalt  }
0x77: {  	_ =	shalt  }
0x78: {  	_ =	shalt  }
0x79: {  	_ =	shalt  }
0x7a: {  	_ =	shalt  }
0x7b: {  	_ =	shalt  }
0x7c: {  	_ =	shalt  }
0x7d: {  	_ =	shalt  }
0x7e: {  	_ =	shalt  }
0x7f: {  	_ =	shalt  }
0x80: {  	_ =	shalt  }
0x81: {  	_ =	shalt  }
0x82: {  	_ =	shalt  }
0x83: {  	_ =	shalt  }
0x84: {  	_ =	shalt  }
0x85: {  	_ =	shalt  }
0x86: {  	_ =	shalt  }
0x87: {  	_ =	shalt  }
.Lfunc_end0:
.L_simem_size_0:
called_computation_lowered:
.L_overlay_start_0:
0x88: {  	s2 =	sld [smem:$0x3FD9]  }
0x89: {  	s3 =	sld [smem:$0x3FFE];
	_ =	sdelay $0x1  }
0x8a: {  	s1 =	srdreg.scid  }
0x8b: {  	s0 =	sand.u32 $0x1, s1  }
0x8c: {  	s14 =	sshll.u32 s0, $0xA;
	s2 =	sadd.s32 s3, s2  }
0x8d: {  	s2 =	sadd.s32 s2, s14  }
0x8e: {  	[smem:$0x3FC1] =	sst s2  }
0x8f: {  	_ = 	snop  }
0x90: {  	s2 =	sld [smem:$0x3FD0];
	_ =	sdelay $0x2  }
0x91: {  	s15 =	simm.s32 $0xA;
	s4 =	simm.s32 $0x10  }
0x92: {  	[smem:s4], [sflag:s15] =	dma.local [hbm:s2], $0x1  }
0x93: {  	_ =	swait.eq [sflag:s15], $0x1  }
0x94: {  	[sflag:s15] =	ssyncset.done $0x0  }
0x95: {  	[sflag:s15] =	ssyncadd.s32 $0xFFFFFFFF  }
0x96: {  	s16 =	sld [smem:$0x11];
	(tm) =	ssettm $0x1  }
0x97: {  	s17 =	sld [smem:$0x3FFB];
	_ =	sdelay $0x3  }
0x98: {  	_ =	strace s17  }
0x99: {  	s3 =	sld [smem:$0x3FFC];
	_ =	sdelay $0x3  }
0x9a: {  	_ =	strace s3  }
0x9b: {  	s3 =	sld [smem:$0x3FFD];
	_ =	sdelay $0x3  }
0x9c: {  	_ =	strace s3  }
0x9d: {  	_ =	strace $0x8FFFFFFF  }
0x9e: {  	s18 =	sld [smem:$0x3FDB];
	_ =	sdelay $0x1  }
0x9f: {  	s19 =	simm.s32 $_scs_section_size  }
0xa0: {  	s5 =	simm.s32 $_size__tile_overlayer_lowered;
	s6 =	simm.s32 $_tile_overlayer_lowered  }
0xa1: {  	s22 =	simm.s32 $0x1BFF;
	s21 =	sshll.u32 s6, $0x1;
	s3 =	sadd.s32 s19, s18  }
0xa2: {  	s7 =	simm.s32 $0x0;
	s20 =	sshll.u32 s5, $0x1;
	s5 =	sadd.s32 s21, s3  }
0xa3: {  	[timem:s7], [sflag:s22] =	dma.local [hbm:s5], s20  }
0xa4: {  	_ =	swait.ge [sflag:s22], s20  }
0xa5: {  	s4 =	ssub.s32 $0x0, s20;
	[sflag:s22] =	ssyncset.done $0x0  }
0xa6: {  	[sflag:s22] =	ssyncadd.s32 s4;
	_ =	sdelay $0x1  }
0xa7: {  	s23 =	simm.s32 $0x1B8B  }
0xa8: {  	_ =	swait.ge [sflag:s23], $0x1  }
0xa9: {  	[sflag:s23] =	ssyncset.done $0x0  }
0xaa: {  	s25 =	simm.s32 $0x1B8E;
	s24 =	sld [smem:$0x3FFE];
	[sflag:s23] =	ssyncadd.s32 $0xFFFFFFFF  }
0xab: {  	s26 =	simm.s32 $execute0_lowered;
	[smem:$0x3FD2] =	sst s25  }
0xac: {  	s5 =	sshll.u32 s26, $0x1;
	_ =	strace $0x80000046;
	[dreg:$0x1] =	wrdreg $0xFFFFFFFF  }
0xad: {  	s28 =	simm.s32 $_size_execute0_lowered;
	s3 =	sadd.s32 s3, s5;
	[dreg:$0x0] =	wrdreg $0x0  }
0xae: {  	s5 =	sshll.u32 s28, $0x1;
	[dreg:$0x2] =	wrdreg s3  }
0xaf: {  	[dreg:$0x3] =	wrdreg s5  }
0xb0: {  	[dreg:$0x4] =	wrdreg $0xC0  }
0xb1: {  	_ =	task [dreg:s7], $0x5FFFF  }
0xb2: {  	[dreg:$0x1] =	wrdreg $0xFFFFFFFF  }
0xb3: {  	[dreg:$0x0] =	wrdreg $0x60  }
0xb4: {  	[dreg:$0x2] =	wrdreg s24  }
0xb5: {  	[dreg:$0x3] =	wrdreg s16  }
0xb6: {  	[dreg:$0x4] =	wrdreg $0x9  }
0xb7: {  	_ =	task.clear_ibuf [dreg:s7], $0x5FFFF;
	_ =	strace $0x90000046  }
0xb8: {  	s29 =	simm.s32 $0x9;
	_ =	strace $0x80000048  }
0xb9: {  	_ =	swait.ge [sflag:s29], $0x1  }
0xba: {  	[sflag:s29] =	ssyncadd.s32 $0xFFFFFFFF  }
0xbb: {  	_ =	strace $0x90000048  }
0xbc: {  	_ =	sfence  }
0xbd: {  	s30 =	sld [smem:$0x0];
	_ =	sdelay $0x2  }
0xbe: {  	s31 =	sshll.u32 s1, $0xD;
	s1 =	sshrl.u32 s1, $0x2  }
0xbf: {  	s3 =	sand.u32 $0x4000, s31;
	s1 =	sadd.s32 s1, s30  }
0xc0: {  	s0 =	sor.u32 s3, s0;
	s1 =	sshll.u32 s1, $0x11  }
0xc1: {  	s0 =	sor.u32 s1, s0  }
0xc2: {  	s0 =	sadd.s32 $0x8F2B, s0  }
0xc3: {  	[sflag:s0] =	ssyncadd.remote.s32 $0x1  }
0xc4: {  	_ =	sfence.sel $0xFFFF  }
0xc5: {  	[dreg:$0x0] =	wrdreg $0xFFFFFFFF;
	(pc) =	sbr.abs _section_cstart, $3  }
0xc6: {  	[dreg:$0x1] =	wrdreg $0xFFFFFFFF  }
0xc7: {  	_ =	task.clear_ibuf [dreg:s7], $0x2FFFF;
	_ =	strace $0x9FFFFFFF  }
0xc8: {  	(tm) =	ssettm $0x7FFFFFFF  }
0xc9: {  	_ =	shalt  }
tec
execute0_lowered:
.L_overlay_start_1:
0x0: {  	(tag) =	ssettag $0x1  }
0x1: {  	s3 =	rddreg [dreg:$0x0]  }
0x2: {  	s1 =	rddreg [dreg:$0x1]  }
0x3: {  	s0 =	rddreg [dreg:$0x2];
	_ =	strace $0x80000047;
	v0 =	vimm.f32 $2.560000000e+02  }
0x4: {  	(erf) = vrcp.f32 v0  }
0x5: {  	s2 =	srdreg.scid  }
0x6: {  	s4 =	sand.u32 $0x1, s2;
	s2 =	stileid.u32  }
0x7: {  	s5 =	sor.u32 s2, s4  }
0x8: {  	p0 =	sne.s32 s5, $0x0  }
.Ltmp0:
0x9: {  	_ = 	snop;
	(pc) =	sbr.rel @p0 .LBB2_21-.Ltmp0, $2  }
0xa: {  	_ =	sdelay $0x2  }
0xb: {  	v0 =	vpop (erf)  }
0xc: {  	s4 =	ssub.s32 $0x2, s4;
	s3 =	sadd.s32 $0xA00, s3  }
0xd: {  	s6 =	simm.s32 $0x1;
	s7 =	simm.s32 $0x2800;
	s5 =	sshrl.u32 s4, $0x1  }
0xe: {  	s8 =	simm.s32 $0x0;
	s4 =	ssub.s32 s4, s5;
	s5 =	simm.s32 $0x0  }
.LBB2_2:
0xf: {  	[tilespmem:s5], [sflag:$0x1] =	stream.linear.gather [hbm4b:s3+s5], $0x2000, $0x38;
	[tilespmem:$0x2880] =	vst v63  }
0x10: {  	_ =	swait.ge [sflag:s6], $0x2000  }
0x11: {  	[sflag:s6] =	ssyncset.done $0x0  }
0x12: {  	[sflag:s6] =	ssyncadd.s32 $0xFFFFE000  }
0x13: {  	v4 =	vld [tilespmem:s5+$0x0];
	_ =	sdelay $0x3  }
0x14: {  	v1 =	vimm.f32 $-3.000000010e+38;
	v3 =	vimm.s32 $0x0  }
0x15: {  	s9 =	simm.s32 $0x1;
	s11 =	simm.s32 $0x80;
	s10 =	simm.s32 $0x0;
	v5 =	vimm.f32 $-3.000000010e+38;
	v2 =	vimm.s32 $0x0;
	vm0 =	vgt.f32 v4, v1  }
.LBB2_3:
0x16: {  	v6 =	vld [tilespmem:s11+$0x0];
	p0 =	sne.s32 s9, $0x3F;
	vm1 =	vgt.f32 v4, v1;
	v3 =	vsel vm0, s10, v3;
	v5 =	vsel vm0, v4, v5;
	s12 =	smov.u32 s9;
	s9 =	sadd.s32 $0x1, s9  }
.Ltmp1:
0x17: {  	v3 =	vsel vm1, v2, v3;
	v5 =	vsel vm1, v1, v5;
	v1 =	vsel vm1, v4, v1;
	(pc) =	sbr.rel @p0 .LBB2_3-.Ltmp1, $2  }
0x18: {  	v2 =	vsel vm1, s10, v2;
	s10 =	smov.u32 s12;
	_ =	sdelay $0x2  }
0x19: {  	s11 =	sadd.s32 $0x80, s11;
	vm0 =	vgt.f32 v6, v5;
	v4 =	vmov v6  }
0x1a: {  	vm1 =	vgt.f32 v4, v1  }
0x1b: {  	v1 =	vsel vm0, s10, v3;
	v3 =	vsel vm1, s10, v2  }
0x1c: {  	v1 =	vsel vm1, v2, v1;
	[tilespmem:$0x2000] =	vst v3  }
0x1d: {  	s9 =	simm.s32 $0x10;
	[tilespmem:$0x2400] =	vst v1  }
0x1e: {  	v4 =	vld [tilespmem:s9+$0x0];
	_ =	sdelay $0x3  }
0x1f: {  	v5 =	vimm.f32 $-3.000000010e+38;
	v1 =	vimm.f32 $-3.000000010e+38  }
0x20: {  	s11 =	simm.s32 $0x90;
	s10 =	simm.s32 $0x1;
	v2 =	vimm.s32 $0x0;
	v3 =	vimm.s32 $0x0;
	s9 =	simm.s32 $0x0;
	vm0 =	vgt.f32 v4, v1  }
.LBB2_5:
0x21: {  	v6 =	vld [tilespmem:s11+$0x0];
	p0 =	sne.s32 s10, $0x3F;
	vm1 =	vgt.f32 v4, v1;
	v3 =	vsel vm0, s9, v3;
	v5 =	vsel vm0, v4, v5;
	s12 =	smov.u32 s10;
	s10 =	sadd.s32 $0x1, s10  }
.Ltmp2:
0x22: {  	v3 =	vsel vm1, v2, v3;
	v5 =	vsel vm1, v1, v5;
	v1 =	vsel vm1, v4, v1;
	(pc) =	sbr.rel @p0 .LBB2_5-.Ltmp2, $2  }
0x23: {  	v2 =	vsel vm1, s9, v2;
	s9 =	smov.u32 s12;
	_ =	sdelay $0x2  }
0x24: {  	s11 =	sadd.s32 $0x80, s11;
	vm0 =	vgt.f32 v6, v5;
	v4 =	vmov v6  }
0x25: {  	vm1 =	vgt.f32 v4, v1  }
0x26: {  	v1 =	vsel vm0, s9, v3;
	v3 =	vsel vm1, s9, v2  }
0x27: {  	v1 =	vsel vm1, v2, v1;
	[tilespmem:$0x2080] =	vst v3  }
0x28: {  	s31 =	simm.s32 $0x20;
	[tilespmem:$0x2480] =	vst v1  }
0x29: {  	v4 =	vld [tilespmem:s31+$0x0];
	_ =	sdelay $0x3  }
0x2a: {  	v5 =	vimm.f32 $-3.000000010e+38;
	v1 =	vimm.f32 $-3.000000010e+38  }
0x2b: {  	s10 =	simm.s32 $0x1;
	s11 =	simm.s32 $0xA0;
	s9 =	simm.s32 $0x0;
	v2 =	vimm.s32 $0x0;
	v3 =	vimm.s32 $0x0;
	vm0 =	vgt.f32 v4, v1  }
.LBB2_7:
0x2c: {  	v6 =	vld [tilespmem:s11+$0x0];
	p0 =	sne.s32 s10, $0x3F;
	vm1 =	vgt.f32 v4, v1;
	v3 =	vsel vm0, s9, v3;
	v5 =	vsel vm0, v4, v5;
	s12 =	smov.u32 s10;
	s10 =	sadd.s32 $0x1, s10  }
.Ltmp3:
0x2d: {  	v3 =	vsel vm1, v2, v3;
	v5 =	vsel vm1, v1, v5;
	v1 =	vsel vm1, v4, v1;
	(pc) =	sbr.rel @p0 .LBB2_7-.Ltmp3, $2  }
0x2e: {  	v2 =	vsel vm1, s9, v2;
	s9 =	smov.u32 s12;
	_ =	sdelay $0x2  }
0x2f: {  	s11 =	sadd.s32 $0x80, s11;
	vm0 =	vgt.f32 v6, v5;
	v4 =	vmov v6  }
0x30: {  	vm1 =	vgt.f32 v4, v1  }
0x31: {  	v1 =	vsel vm0, s9, v3;
	v3 =	vsel vm1, s9, v2  }
0x32: {  	v1 =	vsel vm1, v2, v1;
	[tilespmem:$0x2100] =	vst v3  }
0x33: {  	s31 =	simm.s32 $0x30;
	[tilespmem:$0x2500] =	vst v1  }
0x34: {  	v4 =	vld [tilespmem:s31+$0x0];
	_ =	sdelay $0x3  }
0x35: {  	v5 =	vimm.f32 $-3.000000010e+38;
	v1 =	vimm.f32 $-3.000000010e+38  }
0x36: {  	s10 =	simm.s32 $0x1;
	s11 =	simm.s32 $0xB0;
	s9 =	simm.s32 $0x0;
	v2 =	vimm.s32 $0x0;
	v3 =	vimm.s32 $0x0;
	vm0 =	vgt.f32 v4, v1  }
.LBB2_9:
0x37: {  	v6 =	vld [tilespmem:s11+$0x0];
	p0 =	sne.s32 s10, $0x3F;
	vm1 =	vgt.f32 v4, v1;
	v3 =	vsel vm0, s9, v3;
	v5 =	vsel vm0, v4, v5;
	s12 =	smov.u32 s10;
	s10 =	sadd.s32 $0x1, s10  }
.Ltmp4:
0x38: {  	v3 =	vsel vm1, v2, v3;
	v5 =	vsel vm1, v1, v5;
	v1 =	vsel vm1, v4, v1;
	(pc) =	sbr.rel @p0 .LBB2_9-.Ltmp4, $2  }
0x39: {  	v2 =	vsel vm1, s9, v2;
	s9 =	smov.u32 s12;
	_ =	sdelay $0x2  }
0x3a: {  	s11 =	sadd.s32 $0x80, s11;
	vm0 =	vgt.f32 v6, v5;
	v4 =	vmov v6  }
0x3b: {  	vm1 =	vgt.f32 v4, v1  }
0x3c: {  	v1 =	vsel vm0, s9, v3;
	v3 =	vsel vm1, s9, v2  }
0x3d: {  	v1 =	vsel vm1, v2, v1;
	[tilespmem:$0x2180] =	vst v3  }
0x3e: {  	s31 =	simm.s32 $0x40;
	[tilespmem:$0x2580] =	vst v1  }
0x3f: {  	v4 =	vld [tilespmem:s31+$0x0];
	_ =	sdelay $0x3  }
0x40: {  	v5 =	vimm.f32 $-3.000000010e+38;
	v1 =	vimm.f32 $-3.000000010e+38  }
0x41: {  	s10 =	simm.s32 $0x1;
	s11 =	simm.s32 $0xC0;
	s9 =	simm.s32 $0x0;
	v2 =	vimm.s32 $0x0;
	v3 =	vimm.s32 $0x0;
	vm0 =	vgt.f32 v4, v1  }
.LBB2_11:
0x42: {  	v6 =	vld [tilespmem:s11+$0x0];
	p0 =	sne.s32 s10, $0x3F;
	vm1 =	vgt.f32 v4, v1;
	v3 =	vsel vm0, s9, v3;
	v5 =	vsel vm0, v4, v5;
	s12 =	smov.u32 s10;
	s10 =	sadd.s32 $0x1, s10  }
.Ltmp5:
0x43: {  	v3 =	vsel vm1, v2, v3;
	v5 =	vsel vm1, v1, v5;
	v1 =	vsel vm1, v4, v1;
	(pc) =	sbr.rel @p0 .LBB2_11-.Ltmp5, $2  }
0x44: {  	v2 =	vsel vm1, s9, v2;
	s9 =	smov.u32 s12;
	_ =	sdelay $0x2  }
0x45: {  	s11 =	sadd.s32 $0x80, s11;
	vm0 =	vgt.f32 v6, v5;
	v4 =	vmov v6  }
0x46: {  	vm1 =	vgt.f32 v4, v1  }
0x47: {  	v1 =	vsel vm0, s9, v3;
	v3 =	vsel vm1, s9, v2  }
0x48: {  	v1 =	vsel vm1, v2, v1;
	[tilespmem:$0x2200] =	vst v3  }
0x49: {  	s31 =	simm.s32 $0x50;
	[tilespmem:$0x2600] =	vst v1  }
0x4a: {  	v4 =	vld [tilespmem:s31+$0x0];
	_ =	sdelay $0x3  }
0x4b: {  	v5 =	vimm.f32 $-3.000000010e+38;
	v1 =	vimm.f32 $-3.000000010e+38  }
0x4c: {  	s10 =	simm.s32 $0x1;
	s11 =	simm.s32 $0xD0;
	s9 =	simm.s32 $0x0;
	v2 =	vimm.s32 $0x0;
	v3 =	vimm.s32 $0x0;
	vm0 =	vgt.f32 v4, v1  }
.LBB2_13:
0x4d: {  	v6 =	vld [tilespmem:s11+$0x0];
	p0 =	sne.s32 s10, $0x3F;
	vm1 =	vgt.f32 v4, v1;
	v3 =	vsel vm0, s9, v3;
	v5 =	vsel vm0, v4, v5;
	s12 =	smov.u32 s10;
	s10 =	sadd.s32 $0x1, s10  }
.Ltmp6:
0x4e: {  	v3 =	vsel vm1, v2, v3;
	v5 =	vsel vm1, v1, v5;
	v1 =	vsel vm1, v4, v1;
	(pc) =	sbr.rel @p0 .LBB2_13-.Ltmp6, $2  }
0x4f: {  	v2 =	vsel vm1, s9, v2;
	s9 =	smov.u32 s12;
	_ =	sdelay $0x2  }
0x50: {  	s11 =	sadd.s32 $0x80, s11;
	vm0 =	vgt.f32 v6, v5;
	v4 =	vmov v6  }
0x51: {  	vm1 =	vgt.f32 v4, v1  }
0x52: {  	v1 =	vsel vm0, s9, v3;
	v3 =	vsel vm1, s9, v2  }
0x53: {  	v1 =	vsel vm1, v2, v1;
	[tilespmem:$0x2280] =	vst v3  }
0x54: {  	s31 =	simm.s32 $0x60;
	[tilespmem:$0x2680] =	vst v1  }
0x55: {  	v4 =	vld [tilespmem:s31+$0x0];
	_ =	sdelay $0x3  }
0x56: {  	v5 =	vimm.f32 $-3.000000010e+38;
	v1 =	vimm.f32 $-3.000000010e+38  }
0x57: {  	s10 =	simm.s32 $0x1;
	s11 =	simm.s32 $0xE0;
	s9 =	simm.s32 $0x0;
	v2 =	vimm.s32 $0x0;
	v3 =	vimm.s32 $0x0;
	vm0 =	vgt.f32 v4, v1  }
.LBB2_15:
0x58: {  	v6 =	vld [tilespmem:s11+$0x0];
	p0 =	sne.s32 s10, $0x3F;
	vm1 =	vgt.f32 v4, v1;
	v3 =	vsel vm0, s9, v3;
	v5 =	vsel vm0, v4, v5;
	s12 =	smov.u32 s10;
	s10 =	sadd.s32 $0x1, s10  }
.Ltmp7:
0x59: {  	v3 =	vsel vm1, v2, v3;
	v5 =	vsel vm1, v1, v5;
	v1 =	vsel vm1, v4, v1;
	(pc) =	sbr.rel @p0 .LBB2_15-.Ltmp7, $2  }
0x5a: {  	v2 =	vsel vm1, s9, v2;
	s9 =	smov.u32 s12;
	_ =	sdelay $0x2  }
0x5b: {  	s11 =	sadd.s32 $0x80, s11;
	vm0 =	vgt.f32 v6, v5;
	v4 =	vmov v6  }
0x5c: {  	vm1 =	vgt.f32 v4, v1  }
0x5d: {  	v1 =	vsel vm0, s9, v3;
	v3 =	vsel vm1, s9, v2  }
0x5e: {  	v1 =	vsel vm1, v2, v1;
	[tilespmem:$0x2300] =	vst v3  }
0x5f: {  	s31 =	simm.s32 $0x70;
	[tilespmem:$0x2700] =	vst v1  }
0x60: {  	v6 =	vld [tilespmem:s31+$0x0];
	_ =	sdelay $0x3  }
0x61: {  	v5 =	vimm.s32 $0x0;
	v1 =	vimm.f32 $-3.000000010e+38  }
0x62: {  	s10 =	simm.s32 $0x1;
	s11 =	simm.s32 $0xF0;
	v2 =	vimm.s32 $0x0;
	s9 =	simm.s32 $0x0;
	v3 =	vimm.f32 $-3.000000010e+38;
	vm0 =	vgt.f32 v6, v1  }
.LBB2_17:
0x63: {  	v4 =	vld [tilespmem:s11+$0x0];
	p0 =	sne.s32 s10, $0x3F;
	vm1 =	vgt.f32 v6, v1;
	v2 =	vsel vm0, s9, v2;
	v3 =	vsel vm0, v6, v3;
	s12 =	smov.u32 s10;
	s10 =	sadd.s32 $0x1, s10  }
.Ltmp8:
0x64: {  	v2 =	vsel vm1, v5, v2;
	v3 =	vsel vm1, v1, v3;
	v1 =	vsel vm1, v6, v1;
	(pc) =	sbr.rel @p0 .LBB2_17-.Ltmp8, $2  }
0x65: {  	v5 =	vsel vm1, s9, v5;
	s9 =	smov.u32 s12;
	_ =	sdelay $0x2  }
0x66: {  	s11 =	sadd.s32 $0x80, s11;
	vm0 =	vgt.f32 v4, v3;
	v6 =	vmov v4  }
0x67: {  	v3 =	vld [tilespmem:$0x2000]  }
0x68: {  	v4 =	vld [tilespmem:$0x2400]  }
0x69: {  	v7 =	vld [tilespmem:$0x2080]  }
0x6a: {  	vm1 =	vgt.f32 v6, v1;
	v6 =	vld [tilespmem:$0x2480]  }
0x6b: {  	v1 =	vsel vm0, s9, v2  }
0x6c: {  	s11 =	simm.s32 $0x0;
	v8 =	vld [tilespmem:$0x2100];
	v2 =	vsel vm1, v5, v1  }
0x6d: {  	v9 =	vld [tilespmem:$0x2500];
	v5 =	vsel vm1, s9, v5;
	v1 =	vimm.f32 $0.0e+00;
	s9 =	simm.s32 $0x1;
	vm0 =	veq.s32 v3, s11  }
0x6e: {  	v10 =	vld [tilespmem:$0x2180];
	vm1 =	veq.s32 v4, s11;
	vm3 =	veq.s32 v7, s11;
	vm2 =	veq.s32 v4, s9  }
0x6f: {  	v7 =	vld [tilespmem:$0x2580];
	vm4 =	veq.s32 v6, s11;
	v11 =	vmpcnt.ones.xlane vm0;
	v12 =	vmpcnt.ones.xlane vm1  }
0x70: {  	v13 =	vld [tilespmem:$0x2200];
	vm1 =	veq.s32 v3, s9;
	vm0 =	veq.s32 v2, s11;
	v6 =	vmpcnt.ones.xlane vm3  }
0x71: {  	v61 =	vmpcnt.ones.xlane vm4;
	vm3 =	veq.s32 v8, s11;
	v8 =	vld [tilespmem:$0x2600];
	v11 =	vadd.s32 v12, v11  }
0x72: {  	vm4 =	veq.s32 v9, s11;
	v9 =	vmpcnt.ones.xlane vm3;
	v6 =	vadd.s32 v11, v6;
	v11 =	vld [tilespmem:$0x2280]  }
0x73: {  	v62 =	vld [tilespmem:$0x2680];
	vm3 =	veq.s32 v10, s11;
	v10 =	vmpcnt.ones.xlane vm4;
	v6 =	vadd.s32 v61, v6  }
0x74: {  	vm4 =	veq.s32 v7, s11;
	v7 =	vmpcnt.ones.xlane vm3;
	v6 =	vadd.s32 v6, v9;
	v9 =	vld [tilespmem:$0x2300]  }
0x75: {  	[tilespmem:$0x2380] =	vst v5;
	vm3 =	veq.s32 v13, s11;
	v5 =	vadd.s32 v10, v6;
	v6 =	vmpcnt.ones.xlane vm4;
	v10 =	vld [tilespmem:$0x2700]  }
0x76: {  	v63 =	vld [tilespmem:$0x2380];
	vm4 =	veq.s32 v8, s11;
	v5 =	vadd.s32 v5, v7;
	v7 =	vmpcnt.ones.xlane vm3  }
0x77: {  	v5 =	vadd.s32 v6, v5;
	v6 =	vmpcnt.ones.xlane vm4;
	vm3 =	veq.s32 v11, s11  }
0x78: {  	vm4 =	veq.s32 v62, s11;
	v7 =	vadd.s32 v5, v7;
	v8 =	vmpcnt.ones.xlane vm3  }
0x79: {  	v5 =	vld [tilespmem:$0x2200];
	v11 =	vmpcnt.ones.xlane vm4;
	v7 =	vadd.s32 v6, v7;
	vm3 =	veq.s32 v9, s11  }
0x7a: {  	v6 =	vld [tilespmem:$0x2180];
	v8 =	vadd.s32 v7, v8;
	vm4 =	veq.s32 v10, s11;
	v9 =	vmpcnt.ones.xlane vm3  }
0x7b: {  	s10 =	simm.s32 $0x2;
	[tilespmem:$0x2780] =	vst v2;
	v7 =	vld [tilespmem:$0x2080];
	vm3 =	veq.s32 v63, s11;
	v10 =	vadd.s32 v11, v8;
	v8 =	vmpcnt.ones.xlane vm4  }
.LBB2_19:
0x7c: {  	p0 =	sne.s32 s10, $0x3F;
	v11 =	vld [tilespmem:$0x2480];
	v9 =	vadd.s32 v10, v9;
	v10 =	vmpcnt.ones.xlane vm3;
	v12 =	vmpcnt.ones.xlane vm0  }
0x7d: {  	v13 =	vmpcnt.ones.xlane vm1;
	v14 =	vmpcnt.ones.xlane vm2;
	v15 =	vld [tilespmem:$0x2100];
	v8 =	vadd.s32 v8, v9  }
0x7e: {  	vm1 =	veq.s32 v3, s10;
	vm0 =	veq.s32 v2, s9;
	v9 =	vld [tilespmem:$0x2500];
	v8 =	vadd.s32 v8, v10  }
0x7f: {  	vm2 =	veq.s32 v4, s10;
	v10 =	vadd.s32 v14, v13;
	v8 =	vadd.s32 v12, v8  }
0x80: {  	vm3 =	veq.s32 v5, s9;
	vm4 =	veq.s32 v7, s9;
	v7 =	vld [tilespmem:$0x2580];
	v5 =	vcvt.s32.f32 v8  }
0x81: {  	vm5 =	veq.s32 v11, s9;
	v8 =	vmpcnt.ones.xlane vm4;
	vm4 =	veq.s32 v6, s9  }
0x82: {  	v6 =	vmpcnt.ones.xlane vm5;
	vm5 =	veq.s32 v15, s9;
	v11 =	vld [tilespmem:$0x2600];
	v5 =	vmul.f32 v5, v0  }
0x83: {  	v8 =	vadd.s32 v10, v8;
	vm6 =	veq.s32 v9, s9;
	v9 =	vmpcnt.ones.xlane vm5;
	v10 =	vld [tilespmem:$0x2280]  }
0x84: {  	v6 =	vadd.s32 v6, v8;
	v8 =	vmpcnt.ones.xlane vm6;
	v12 =	vld [tilespmem:$0x2680];
	v5 =	vmul.f32 v5, v5  }
0x85: {  	v6 =	vadd.s32 v6, v9;
	vm5 =	veq.s32 v7, s9;
	v7 =	vmpcnt.ones.xlane vm4;
	v9 =	vld [tilespmem:$0x2300]  }
0x86: {  	v6 =	vadd.s32 v8, v6;
	v8 =	vmpcnt.ones.xlane vm5;
	v13 =	vld [tilespmem:$0x2700];
	v1 =	vadd.f32 v5, v1  }
0x87: {  	v5 =	vadd.s32 v6, v7;
	vm4 =	veq.s32 v11, s9;
	v6 =	vmpcnt.ones.xlane vm3;
	v11 =	vld [tilespmem:$0x2380]  }
.Ltmp9:
0x88: {  	v5 =	vadd.s32 v8, v5;
	v7 =	vmpcnt.ones.xlane vm4;
	vm3 =	veq.s32 v10, s9;
	(pc) =	sbr.rel @p0 .LBB2_19-.Ltmp9, $4  }
0x89: {  	v6 =	vadd.s32 v5, v6;
	vm4 =	veq.s32 v12, s9;
	v8 =	vmpcnt.ones.xlane vm3  }
0x8a: {  	v5 =	vld [tilespmem:$0x2200];
	v7 =	vadd.s32 v7, v6;
	v10 =	vmpcnt.ones.xlane vm4;
	vm3 =	veq.s32 v9, s9  }
0x8b: {  	v6 =	vld [tilespmem:$0x2180];
	v8 =	vadd.s32 v7, v8;
	vm4 =	veq.s32 v13, s9;
	v9 =	vmpcnt.ones.xlane vm3  }
0x8c: {  	v7 =	vld [tilespmem:$0x2080];
	v10 =	vadd.s32 v10, v8;
	v8 =	vmpcnt.ones.xlane vm4;
	vm3 =	veq.s32 v11, s9;
	s9 =	smov.u32 s10;
	s10 =	sadd.s32 $0x1, s10  }
0x8d: {  	v3 =	vld [tilespmem:$0x2480]  }
0x8e: {  	v4 =	vld [tilespmem:$0x2100]  }
0x8f: {  	v11 =	vld [tilespmem:$0x2500];
	v43 =	vmpcnt.ones.xlane vm1  }
0x90: {  	v9 =	vadd.s32 v10, v9;
	v12 =	vmpcnt.ones.xlane vm2;
	v53 =	vmpcnt.ones.xlane vm3  }
0x91: {  	v44 =	vld [tilespmem:$0x2580];
	v13 =	vmpcnt.ones.xlane vm0;
	vm10 =	veq.s32 v2, s9;
	vm14 =	veq.s32 v7, s9  }
0x92: {  	v8 =	vadd.s32 v8, v9;
	vm15 =	veq.s32 v3, s9;
	v3 =	vmpcnt.ones.xlane vm14  }
0x93: {  	v47 =	vld [tilespmem:$0x2600];
	v45 =	vadd.s32 v12, v43;
	vm4 =	veq.s32 v4, s9;
	v46 =	vmpcnt.ones.xlane vm15  }
0x94: {  	v49 =	vld [tilespmem:$0x2280];
	vm5 =	veq.s32 v11, s9;
	v48 =	vmpcnt.ones.xlane vm4;
	v3 =	vadd.s32 v45, v3  }
0x95: {  	v51 =	vld [tilespmem:$0x2680];
	vm6 =	veq.s32 v6, s9;
	v50 =	vmpcnt.ones.xlane vm5;
	v3 =	vadd.s32 v46, v3  }
0x96: {  	v54 =	vld [tilespmem:$0x2300];
	v52 =	vmpcnt.ones.xlane vm6;
	vm7 =	veq.s32 v44, s9;
	v3 =	vadd.s32 v3, v48  }
0x97: {  	v56 =	vld [tilespmem:$0x2700];
	vm8 =	veq.s32 v5, s9;
	v55 =	vmpcnt.ones.xlane vm7;
	v3 =	vadd.s32 v50, v3  }
0x98: {  	v58 =	vld [tilespmem:$0x2380];
	v57 =	vmpcnt.ones.xlane vm8;
	vm9 =	veq.s32 v47, s9;
	v3 =	vadd.s32 v3, v52  }
0x99: {  	vm11 =	veq.s32 v49, s9;
	v2 =	vmpcnt.ones.xlane vm9;
	v3 =	vadd.s32 v55, v3  }
0x9a: {  	vm12 =	veq.s32 v51, s9;
	v59 =	vmpcnt.ones.xlane vm11;
	v3 =	vadd.s32 v3, v57  }
0x9b: {  	vm13 =	veq.s32 v54, s9;
	v2 =	vadd.s32 v2, v3;
	v3 =	vmpcnt.ones.xlane vm12  }
0x9c: {  	vm14 =	veq.s32 v56, s9;
	v60 =	vmpcnt.ones.xlane vm13;
	v2 =	vadd.s32 v2, v59  }
0x9d: {  	vm15 =	veq.s32 v58, s9;
	v2 =	vadd.s32 v3, v2;
	v3 =	vmpcnt.ones.xlane vm14  }
0x9e: {  	v61 =	vadd.s32 v8, v53;
	v62 =	vmpcnt.ones.xlane vm15;
	v2 =	vadd.s32 v2, v60  }
0x9f: {  	v63 =	vmpcnt.ones.xlane vm10;
	v5 =	vadd.s32 v13, v61;
	v2 =	vadd.s32 v3, v2  }
0xa0: {  	v3 =	vcvt.s32.f32 v5;
	v2 =	vadd.s32 v2, v62  }
0xa1: {  	v2 =	vadd.s32 v63, v2  }
0xa2: {  	v3 =	vmul.f32 v3, v0;
	v2 =	vcvt.s32.f32 v2;
	_ =	sdelay $0x1  }
0xa3: {  	v3 =	vmul.f32 v3, v3;
	v2 =	vmul.f32 v2, v0;
	_ =	sdelay $0x1  }
0xa4: {  	v1 =	vadd.f32 v3, v1;
	v2 =	vmul.f32 v2, v2;
	_ =	sdelay $0x1  }
0xa5: {  	s8 =	sadd.s32 $0x1, s8;
	v1 =	vadd.f32 v2, v1  }
0xa6: {  	p0 =	sne.s32 s8, s4  }
.Ltmp10:
0xa7: {  	[tilespmem:$0x2800] =	vst v1;
	(pc) =	sbr.rel @p0 .LBB2_2-.Ltmp10, $4  }
0xa8: {  	[hbm4b:s1+s5] =	stream.linear.scatter [tilespmem:s7], [sflag:$0x1], $0x80, $0x38;
	[tilespmem:$0x2880] =	vst v63  }
0xa9: {  	_ =	swait.ge [sflag:s6], $0x80  }
0xaa: {  	[sflag:s6] =	ssyncset.done $0x0  }
0xab: {  	[sflag:s6] =	ssyncadd.s32 $0xFFFFFF80  }
.LBB2_21:
0xac: {  	_ =	sfence.sel $0x180000  }
0xad: {  	[bflag:$0x0] =	sbarrier.arrive $0xFFFF  }
0xae: {  	p0 =	sne.s32 s2, $0x0;
	_ =	strace $0x90000047  }
0xaf: {  	s0 =	sadd.s32 @!p0 $0x100000, s0;
	[bflag:$0x2] =	sbarrier.arrive $0xFFFF  }
0xb0: {  	[sflag:s0] =	ssyncadd.tile.s32 @!p0 $0x1;
	_ =	shalt  }
.Lfunc_end2:
_tile_overlayer_lowered:
.L_overlay_start_2:
0xb1: {  	(tag) =	ssettag $0x2  }
0xb2: {  	s0 =	rddreg [dreg:$0x0];
	s2 =	stileid.u32  }
0xb3: {  	s1 =	rddreg [dreg:$0x1];
	p0 =	sne.s32 s2, $0x0  }
0xb4: {  	s3 =	rddreg [dreg:$0x2];
	[bflag:$0x3] =	sbarrier.arrive $0xFFFF;
	s2 =	simm.s32 @!p0 $0x1C01  }
0xb5: {  	[timem:s3], [sflag:s2] =	dma.local @!p0 [hbm:s0], s1  }
0xb6: {  	s0 =	simm.s32 @!p0 $0x1  }
0xb7: {  	_ =	swait.ge @!p0 [sflag:s0], s1  }
0xb8: {  	s1 =	ssub.s32 @!p0 $0x0, s1;
	[sflag:s0] =	ssyncset.done @!p0 $0x0  }
0xb9: {  	[sflag:s0] =	ssyncadd.s32 @!p0 s1  }
0xba: {  	[bflag:$0x3] =	sbarrier.arrive $0xFFFF  }
0xbb: {  	_ =	shalt  }

</sc_bundles>
